<compile_context>
chip_gen: v7x
topology: tpu7x:2x2x1
jax: 0.10.2.dev20260603
libtpu: 0.0.44.dev20260713+nightly
codegen_flags: <defaults>
</compile_context>

<pallas_src>
import functools

import jax
import jax.numpy as jnp
from jax import lax
from jax.experimental import pallas as pl
from jax.experimental.pallas import tpu as pltpu
from jax.experimental.pallas import tpu_sc as plsc

N = 10000
E = 320000
IN_DIM = 128
HID = 128
NUM_CLS = 40

NC = 2
NS = 16
NW = NC * NS
CH = 128
NCT = 158
EPT = NCT * CH // 2
EPAD = 16 * NCT * CH
NPAD = 10240
DEGN = 10240
RPS = NPAD // NS
BN = 2048

_MESH = plsc.VectorSubcoreMesh(
    core_axis_name="c", subcore_axis_name="s", num_cores=NC, num_subcores=NS
)


def _deg_body(dstp, degp, dst_v, deg_v):
    c = lax.axis_index("c")
    s = lax.axis_index("s")
    w = c * NS + s
    pltpu.sync_copy(dstp.at[w], dst_v)

    zeros16 = jnp.zeros((16,), jnp.float32)
    ones16 = jnp.ones((16,), jnp.float32)

    def zbody(i, carry):
        deg_v[pl.ds(i * 16, 16)] = zeros16
        return carry

    lax.fori_loop(0, DEGN // 16, zbody, 0)

    def ebody(i, carry):
        idx = dst_v[pl.ds(i * 16, 16)]
        plsc.addupdate_scatter(deg_v, [idx], ones16)
        return carry

    lax.fori_loop(0, EPT // 16, ebody, 0)
    pltpu.sync_copy(deg_v, degp.at[w])


_deg_call = functools.partial(
    pl.kernel,
    _deg_body,
    out_type=jax.ShapeDtypeStruct((NW, DEGN), jnp.float32),
    mesh=_MESH,
    compiler_params=pltpu.CompilerParams(needs_layout_passes=False, use_tc_tiling_on_sc=False),
    scratch_types=[
        pltpu.VMEM((EPT,), jnp.int32),
        pltpu.VMEM((DEGN,), jnp.float32),
    ],
)


NBUF = 2
NIB = 4


def _make_edge_body(n0, n1):
    def _edge_body(ht, eidx, out, iring, gbuf, acc_sh, isem, gsem):
        c = lax.axis_index("c")
        s = lax.axis_index("s")
        w = c * NS + s
        nch = n0 if n0 == n1 else jnp.where(c == 0, n0, n1)
        pltpu.sync_copy(
            ht.at[pl.ds(s * RPS, RPS)], acc_sh.at[pl.ds(s * RPS, RPS)]
        )

        for r in range(NIB - 1):
            pltpu.async_copy(eidx.at[w, r], iring.at[r], isem.at[r])
        plsc.subcore_barrier()
        pltpu.make_async_copy(eidx.at[w, 0], iring.at[0], isem.at[0]).wait()
        pltpu.async_copy(ht.at[iring.at[0, 0]], gbuf.at[0], gsem.at[0])

        def ebody(j, carry):
            b = lax.rem(j, NBUF)
            r = lax.rem(j, NIB)
            pltpu.make_async_copy(
                ht.at[iring.at[r, 0]], gbuf.at[b], gsem.at[b]
            ).wait()
            ji = j + NIB - 1

            @pl.when(ji < nch)
            def _():
                ri = lax.rem(ji, NIB)
                pltpu.async_copy(eidx.at[w, ji], iring.at[ri], isem.at[ri])

            jg = j + 1

            @pl.when(jg < nch)
            def _():
                rg = lax.rem(jg, NIB)
                bg = lax.rem(jg, NBUF)
                pltpu.make_async_copy(
                    eidx.at[w, jg], iring.at[rg], isem.at[rg]
                ).wait()
                pltpu.async_copy(
                    ht.at[iring.at[rg, 0]], gbuf.at[bg], gsem.at[bg]
                )

            pltpu.sync_copy(gbuf.at[b], acc_sh.at[iring.at[r, 1]], add=True)
            return carry

        lax.fori_loop(0, nch, ebody, 0)
        plsc.subcore_barrier()
        pltpu.sync_copy(
            acc_sh.at[pl.ds(s * RPS, RPS)], out.at[c, pl.ds(s * RPS, RPS)]
        )

    return _edge_body


def _make_edge_call(d, n0, n1):
    return functools.partial(
        pl.kernel,
        _make_edge_body(n0, n1),
        out_type=jax.ShapeDtypeStruct((NC, NPAD, d), jnp.float32),
        mesh=_MESH,
        compiler_params=pltpu.CompilerParams(needs_layout_passes=False, use_tc_tiling_on_sc=False),
        scratch_types=[
            pltpu.VMEM((NIB, 2, CH), jnp.int32),
            pltpu.VMEM((NBUF, CH, d), jnp.float32),
            pltpu.VMEM_SHARED((NPAD, d), jnp.float32),
            pltpu.SemaphoreType.DMA((NIB,)),
            pltpu.SemaphoreType.DMA((NBUF,)),
        ],
    )


N0_1, N1_1 = 79, 79
N0_2, N1_2 = 79, 79
_edge_call_1 = _make_edge_call(HID, N0_1, N1_1)
_edge_call_2 = _make_edge_call(NUM_CLS, N0_2, N1_2)


def _dinv_of(degp_block):
    return lax.rsqrt(jnp.sum(degp_block, axis=0) + 1.0)


def _mm1_body(x_ref, w_ref, degp_ref, o_ref):
    dinv = _dinv_of(degp_ref[...])
    o_ref[...] = (
        jnp.dot(x_ref[...], w_ref[...], preferred_element_type=jnp.float32)
        * dinv[:, None]
    )


def _mm2_body(acc_ref, ht_ref, degp_ref, b_ref, w_ref, o_ref):
    dinv = _dinv_of(degp_ref[...])
    a = acc_ref[0] + acc_ref[1] - ht_ref[...]
    h1 = jnp.maximum(a * dinv[:, None] + b_ref[...], 0.0)
    o_ref[...] = (
        jnp.dot(h1, w_ref[...], preferred_element_type=jnp.float32)
        * dinv[:, None]
    )


def _fin_body(acc_ref, ht_ref, degp_ref, b_ref, o_ref):
    dinv = _dinv_of(degp_ref[...])
    a = acc_ref[0] + acc_ref[1] - ht_ref[...]
    o_ref[...] = a * dinv[:, None] + b_ref[...]


def _row_spec(bn, d):
    return pl.BlockSpec((bn, d), lambda i: (i, 0))


def _degp_spec(bn):
    return pl.BlockSpec((NW, bn), lambda i: (0, i))


def _acc_spec(bn, d):
    return pl.BlockSpec((NC, bn, d), lambda i: (0, i, 0))


def _full_spec(*shape):
    return pl.BlockSpec(shape, lambda i: tuple(0 for _ in shape))


def kernel(x, edge_index, W1, b1, W2, b2):
    src = edge_index[0]
    dst = edge_index[1]
    pad_e = EPAD - E
    srcp = jnp.concatenate([src, jnp.zeros((pad_e,), src.dtype)])
    dstf = jnp.concatenate([dst, jnp.full((pad_e,), N, dst.dtype)])
    dstp1 = dstf.reshape(NW, EPT)

    def _split(ef, fill, n0, n1):
        nmax = max(n0, n1)
        ea = ef[: 16 * n0 * CH].reshape(16, n0, CH)
        eb = ef[16 * n0 * CH :].reshape(16, n1, CH)
        ea = jnp.concatenate(
            [ea, jnp.full((16, nmax - n0, CH), fill, ef.dtype)], axis=1
        ) if n0 < nmax else ea
        eb = jnp.concatenate(
            [eb, jnp.full((16, nmax - n1, CH), fill, ef.dtype)], axis=1
        ) if n1 < nmax else eb
        return jnp.concatenate([ea, eb], axis=0)

    def _eidx_of(n0, n1):
        return jnp.stack(
            [_split(srcp, 0, n0, n1), _split(dstf, N, n0, n1)], axis=2
        )

    eidx1 = _eidx_of(N0_1, N1_1)
    eidx2 = eidx1 if (N0_2, N1_2) == (N0_1, N1_1) else _eidx_of(N0_2, N1_2)
    xpad = jnp.concatenate(
        [x, jnp.zeros((DEGN - N, IN_DIM), x.dtype)], axis=0
    )
    b1r = b1.reshape(1, HID)
    b2r = b2.reshape(1, NUM_CLS)

    degp = _deg_call()(dstp1)

    ht1 = pl.pallas_call(
        _mm1_body,
        grid=(DEGN // BN,),
        in_specs=[
            _row_spec(BN, IN_DIM),
            _full_spec(IN_DIM, HID),
            _degp_spec(BN),
        ],
        out_specs=_row_spec(BN, HID),
        out_shape=jax.ShapeDtypeStruct((DEGN, HID), jnp.float32),
    )(xpad, W1, degp)

    acc1 = _edge_call_1()(ht1, eidx1)

    ht2 = pl.pallas_call(
        _mm2_body,
        grid=(DEGN // BN,),
        in_specs=[
            _acc_spec(BN, HID),
            _row_spec(BN, HID),
            _degp_spec(BN),
            _full_spec(1, HID),
            _full_spec(HID, NUM_CLS),
        ],
        out_specs=_row_spec(BN, NUM_CLS),
        out_shape=jax.ShapeDtypeStruct((DEGN, NUM_CLS), jnp.float32),
    )(acc1, ht1, degp, b1r, W2)

    acc2 = _edge_call_2()(ht2, eidx2)

    out = pl.pallas_call(
        _fin_body,
        grid=(DEGN // BN,),
        in_specs=[
            _acc_spec(BN, NUM_CLS),
            _row_spec(BN, NUM_CLS),
            _degp_spec(BN),
            _full_spec(1, NUM_CLS),
        ],
        out_specs=_row_spec(BN, NUM_CLS),
        out_shape=jax.ShapeDtypeStruct((DEGN, NUM_CLS), jnp.float32),
    )(acc2, ht2, degp, b2r)

    return out[:N]

# --- scband reference (transcript-rebuilt; emitter-appended) ---
"""Pipeline reference for scband-node-cls-head-24180665876740 (READ-ONLY COPY).

The authoritative reference and input builder live on the scoring server;
editing this copy changes nothing except your own understanding.
"""

import jax, jax.numpy as jnp
import numpy as np

N = 10000
E = 320000
IN_DIM = 128
HID = 128
NUM_CLS = 40


def gcn_conv(x, src, dst, W, b, n_nodes):
    # GCNConv with added self-loops and symmetric normalization:
    # out = D^{-1/2} (A + I) D^{-1/2} X W + b
    loop = jnp.arange(n_nodes, dtype=src.dtype)
    src_f = jnp.concatenate([src, loop])
    dst_f = jnp.concatenate([dst, loop])
    deg = jnp.zeros((n_nodes,), dtype=x.dtype).at[dst_f].add(1.0)
    dinv = jnp.where(deg > 0, deg ** -0.5, 0.0)
    norm = dinv[src_f] * dinv[dst_f]
    h = x @ W
    msg = h[src_f] * norm[:, None]
    out = jnp.zeros((n_nodes, h.shape[1]), dtype=h.dtype).at[dst_f].add(msg)
    return out + b


def setup_inputs(seed: int = 0) -> dict:
    key = jax.random.key(seed)
    ks = jax.random.split(key, 6)
    x = jax.random.normal(ks[0], (N, IN_DIM), dtype=jnp.float32)
    edge_index = jax.random.randint(ks[1], (2, E), 0, N, dtype=jnp.int32)
    W1 = jax.random.normal(ks[2], (IN_DIM, HID), dtype=jnp.float32) * (1.0 / np.sqrt(IN_DIM))
    b1 = jnp.zeros((HID,), dtype=jnp.float32)
    W2 = jax.random.normal(ks[3], (HID, NUM_CLS), dtype=jnp.float32) * (1.0 / np.sqrt(HID))
    b2 = jnp.zeros((NUM_CLS,), dtype=jnp.float32)
    return {"x": x, "edge_index": edge_index, "W1": W1, "b1": b1, "W2": W2, "b2": b2}


def reference(x, edge_index, W1, b1, W2, b2):
    # Eval-mode forward of NodeClsHead.head (2-layer GCN).
    # dropout_edge and feature dropout are identity in eval mode.
    # The pretrained_model / manifold logmap0 concat is mocked: x already
    # contains the concatenated node features of dimension in_dim.
    src, dst = edge_index[0], edge_index[1]
    h = gcn_conv(x, src, dst, W1, b1, N)
    h = jax.nn.relu(h)
    out = gcn_conv(h, src, dst, W2, b2, N)
    return out

if __name__ == "__main__":
    import jax
    _d = setup_inputs()
    print(jax.jit(kernel)(*tuple(_d.values())))

</pallas_src>

<mosaic_0001>
#map = affine_map<(d0, d1) -> (0, 0)>
#map1 = affine_map<(d0, d1) -> (0, 0, 0, 0)>
#map2 = affine_map<(d0, d1) -> (0, 0, 0)>
module attributes {stable_mosaic.version = 14 : i64} {
  func.func @_edge_body(%arg0: i32, %arg1: i32, %arg2: memref<10240x128xf32, #tpu.memory_space<hbm>>, %arg3: memref<32x79x2x128xi32, #tpu.memory_space<hbm>>, %arg4: memref<2x10240x128xf32, #tpu.memory_space<hbm>>, %arg5: memref<4x2x128xi32, #tpu.memory_space<vmem>>, %arg6: memref<2x128x128xf32, #tpu.memory_space<vmem>>, %arg7: memref<10240x128xf32, #tpu.memory_space<vmem_shared>>, %arg8: memref<4x!tpu.dma_semaphore, #tpu.memory_space<semaphore_mem>>, %arg9: memref<2x!tpu.dma_semaphore, #tpu.memory_space<semaphore_mem>>) attributes {dimension_semantics = [#tpu.dimension_semantics<core_parallel>, #tpu.dimension_semantics<subcore_parallel>], iteration_bounds = array<i64: 2, 16>, scalar_prefetch = 0 : i64, scratch_operands = 5 : i64, tpu.core_type = #tpu.core_type<sc_vector_subcore>, window_params = [{transform_indices = #map}, {transform_indices = #map1}, {transform_indices = #map2}]} {
    %mul3A = arith.constant 16 : i32
    %mul3A_0 = arith.muli %arg0, %mul3A : i32
    %add3A = arith.addi %mul3A_0, %arg1 : i32
    %mul3A_1 = arith.constant 640 : i32
    %mul3A_2 = arith.muli %arg1, %mul3A_1 : i32
    %mul3A_3 = arith.constant 640 : i32
    %mul3A_4 = arith.muli %arg1, %mul3A_3 : i32
    "tpu.region"() ({
      %run_scoped3A = tpu.sem_alloc : memref<!tpu.dma_semaphore, #tpu.memory_space<semaphore_mem>>
      %dma_start3A_113 = arith.constant 0 : i32
      %dma_start3A_114 = tpu.memref_slice %arg7[%mul3A_4, %dma_start3A_113] : memref<10240x128xf32, #tpu.memory_space<vmem_shared>> -> memref<640x128xf32, #tpu.memory_space<vmem_shared>>
      %dma_start3A_115 = arith.constant 0 : i32
      %dma_start3A_116 = tpu.memref_slice %arg2[%mul3A_2, %dma_start3A_115] : memref<10240x128xf32, #tpu.memory_space<hbm>> -> memref<640x128xf32, #tpu.memory_space<hbm>>
      tpu.enqueue_dma source(%dma_start3A_116 : memref<640x128xf32, #tpu.memory_space<hbm>>) target(%dma_start3A_114 : memref<640x128xf32, #tpu.memory_space<vmem_shared>>) target_semaphore(%run_scoped3A : memref<!tpu.dma_semaphore, #tpu.memory_space<semaphore_mem>>)
      %dma_wait3A_117 = arith.constant 0 : i32
      %dma_wait3A_118 = tpu.memref_slice %arg7[%mul3A_4, %dma_wait3A_117] : memref<10240x128xf32, #tpu.memory_space<vmem_shared>> -> memref<640x128xf32, #tpu.memory_space<vmem_shared>>
      %dma_wait3A_119 = arith.constant 0 : i32
      %dma_wait3A_120 = tpu.memref_slice %arg2[%mul3A_2, %dma_wait3A_119] : memref<10240x128xf32, #tpu.memory_space<hbm>> -> memref<640x128xf32, #tpu.memory_space<hbm>>
      tpu.wait_dma2 semaphore(%run_scoped3A : memref<!tpu.dma_semaphore, #tpu.memory_space<semaphore_mem>>) src(%dma_wait3A_120 : memref<640x128xf32, #tpu.memory_space<hbm>>) dst(%dma_wait3A_118 : memref<640x128xf32, #tpu.memory_space<vmem_shared>>)
      tpu.yield
    }) : () -> ()
    %dma_start3A = arith.constant 0 : i32
    %dma_start3A_5 = arith.constant 0 : i32
    %dma_start3A_6 = arith.constant 0 : i32
    %dma_start3A_7 = arith.constant 0 : i32
    %dma_start3A_8 = arith.constant 0 : i32
    %dma_start3A_9 = tpu.memref_slice %arg5[%dma_start3A_5, %dma_start3A_7, %dma_start3A_8] : memref<4x2x128xi32, #tpu.memory_space<vmem>> -> memref<1x2x128xi32, #tpu.memory_space<vmem>>
    %dma_start3A_10 = tpu.memref_squeeze %dma_start3A_9 : memref<1x2x128xi32, #tpu.memory_space<vmem>> -> memref<2x128xi32, #tpu.memory_space<vmem>>
    %dma_start3A_11 = arith.constant 0 : i32
    %dma_start3A_12 = arith.constant 0 : i32
    %dma_start3A_13 = tpu.memref_slice %arg3[%add3A, %dma_start3A, %dma_start3A_11, %dma_start3A_12] : memref<32x79x2x128xi32, #tpu.memory_space<hbm>> -> memref<1x1x2x128xi32, #tpu.memory_space<hbm>>
    %dma_start3A_14 = tpu.memref_squeeze %dma_start3A_13 : memref<1x1x2x128xi32, #tpu.memory_space<hbm>> -> memref<2x128xi32, #tpu.memory_space<hbm>>
    %dma_start3A_15 = tpu.memref_slice %arg8[%dma_start3A_6] : memref<4x!tpu.dma_semaphore, #tpu.memory_space<semaphore_mem>> -> memref<1x!tpu.dma_semaphore, #tpu.memory_space<semaphore_mem>>
    %dma_start3A_16 = tpu.memref_squeeze %dma_start3A_15 : memref<1x!tpu.dma_semaphore, #tpu.memory_space<semaphore_mem>> -> memref<!tpu.dma_semaphore, #tpu.memory_space<semaphore_mem>>
    %dma_start3A_17 = arith.constant 0 : i32
    %dma_start3A_18 = arith.constant 0 : i32
    %dma_start3A_19 = tpu.memref_slice %arg5[%dma_start3A_5, %dma_start3A_17, %dma_start3A_18] : memref<4x2x128xi32, #tpu.memory_space<vmem>> -> memref<1x2x128xi32, #tpu.memory_space<vmem>>
    %dma_start3A_20 = tpu.memref_squeeze %dma_start3A_19 : memref<1x2x128xi32, #tpu.memory_space<vmem>> -> memref<2x128xi32, #tpu.memory_space<vmem>>
    %dma_start3A_21 = arith.constant 0 : i32
    %dma_start3A_22 = arith.constant 0 : i32
    %dma_start3A_23 = tpu.memref_slice %arg3[%add3A, %dma_start3A, %dma_start3A_21, %dma_start3A_22] : memref<32x79x2x128xi32, #tpu.memory_space<hbm>> -> memref<1x1x2x128xi32, #tpu.memory_space<hbm>>
    %dma_start3A_24 = tpu.memref_squeeze %dma_start3A_23 : memref<1x1x2x128xi32, #tpu.memory_space<hbm>> -> memref<2x128xi32, #tpu.memory_space<hbm>>
    tpu.enqueue_dma source(%dma_start3A_24 : memref<2x128xi32, #tpu.memory_space<hbm>>) target(%dma_start3A_20 : memref<2x128xi32, #tpu.memory_space<vmem>>) target_semaphore(%dma_start3A_16 : memref<!tpu.dma_semaphore, #tpu.memory_space<semaphore_mem>>)
    %dma_start3A_25 = arith.constant 1 : i32
    %dma_start3A_26 = arith.constant 1 : i32
    %dma_start3A_27 = arith.constant 1 : i32
    %dma_start3A_28 = arith.constant 0 : i32
    %dma_start3A_29 = arith.constant 0 : i32
    %dma_start3A_30 = tpu.memref_slice %arg5[%dma_start3A_26, %dma_start3A_28, %dma_start3A_29] : memref<4x2x128xi32, #tpu.memory_space<vmem>> -> memref<1x2x128xi32, #tpu.memory_space<vmem>>
    %dma_start3A_31 = tpu.memref_squeeze %dma_start3A_30 : memref<1x2x128xi32, #tpu.memory_space<vmem>> -> memref<2x128xi32, #tpu.memory_space<vmem>>
    %dma_start3A_32 = arith.constant 0 : i32
    %dma_start3A_33 = arith.constant 0 : i32
    %dma_start3A_34 = tpu.memref_slice %arg3[%add3A, %dma_start3A_25, %dma_start3A_32, %dma_start3A_33] : memref<32x79x2x128xi32, #tpu.memory_space<hbm>> -> memref<1x1x2x128xi32, #tpu.memory_space<hbm>>
    %dma_start3A_35 = tpu.memref_squeeze %dma_start3A_34 : memref<1x1x2x128xi32, #tpu.memory_space<hbm>> -> memref<2x128xi32, #tpu.memory_space<hbm>>
    %dma_start3A_36 = tpu.memref_slice %arg8[%dma_start3A_27] : memref<4x!tpu.dma_semaphore, #tpu.memory_space<semaphore_mem>> -> memref<1x!tpu.dma_semaphore, #tpu.memory_space<semaphore_mem>>
    %dma_start3A_37 = tpu.memref_squeeze %dma_start3A_36 : memref<1x!tpu.dma_semaphore, #tpu.memory_space<semaphore_mem>> -> memref<!tpu.dma_semaphore, #tpu.memory_space<semaphore_mem>>
    %dma_start3A_38 = arith.constant 0 : i32
    %dma_start3A_39 = arith.constant 0 : i32
    %dma_start3A_40 = tpu.memref_slice %arg5[%dma_start3A_26, %dma_start3A_38, %dma_start3A_39] : memref<4x2x128xi32, #tpu.memory_space<vmem>> -> memref<1x2x128xi32, #tpu.memory_space<vmem>>
    %dma_start3A_41 = tpu.memref_squeeze %dma_start3A_40 : memref<1x2x128xi32, #tpu.memory_space<vmem>> -> memref<2x128xi32, #tpu.memory_space<vmem>>
    %dma_start3A_42 = arith.constant 0 : i32
    %dma_start3A_43 = arith.constant 0 : i32
    %dma_start3A_44 = tpu.memref_slice %arg3[%add3A, %dma_start3A_25, %dma_start3A_42, %dma_start3A_43] : memref<32x79x2x128xi32, #tpu.memory_space<hbm>> -> memref<1x1x2x128xi32, #tpu.memory_space<hbm>>
    %dma_start3A_45 = tpu.memref_squeeze %dma_start3A_44 : memref<1x1x2x128xi32, #tpu.memory_space<hbm>> -> memref<2x128xi32, #tpu.memory_space<hbm>>
    tpu.enqueue_dma source(%dma_start3A_45 : memref<2x128xi32, #tpu.memory_space<hbm>>) target(%dma_start3A_41 : memref<2x128xi32, #tpu.memory_space<vmem>>) target_semaphore(%dma_start3A_37 : memref<!tpu.dma_semaphore, #tpu.memory_space<semaphore_mem>>)
    %dma_start3A_46 = arith.constant 2 : i32
    %dma_start3A_47 = arith.constant 2 : i32
    %dma_start3A_48 = arith.constant 2 : i32
    %dma_start3A_49 = arith.constant 0 : i32
    %dma_start3A_50 = arith.constant 0 : i32
    %dma_start3A_51 = tpu.memref_slice %arg5[%dma_start3A_47, %dma_start3A_49, %dma_start3A_50] : memref<4x2x128xi32, #tpu.memory_space<vmem>> -> memref<1x2x128xi32, #tpu.memory_space<vmem>>
    %dma_start3A_52 = tpu.memref_squeeze %dma_start3A_51 : memref<1x2x128xi32, #tpu.memory_space<vmem>> -> memref<2x128xi32, #tpu.memory_space<vmem>>
    %dma_start3A_53 = arith.constant 0 : i32
    %dma_start3A_54 = arith.constant 0 : i32
    %dma_start3A_55 = tpu.memref_slice %arg3[%add3A, %dma_start3A_46, %dma_start3A_53, %dma_start3A_54] : memref<32x79x2x128xi32, #tpu.memory_space<hbm>> -> memref<1x1x2x128xi32, #tpu.memory_space<hbm>>
    %dma_start3A_56 = tpu.memref_squeeze %dma_start3A_55 : memref<1x1x2x128xi32, #tpu.memory_space<hbm>> -> memref<2x128xi32, #tpu.memory_space<hbm>>
    %dma_start3A_57 = tpu.memref_slice %arg8[%dma_start3A_48] : memref<4x!tpu.dma_semaphore, #tpu.memory_space<semaphore_mem>> -> memref<1x!tpu.dma_semaphore, #tpu.memory_space<semaphore_mem>>
    %dma_start3A_58 = tpu.memref_squeeze %dma_start3A_57 : memref<1x!tpu.dma_semaphore, #tpu.memory_space<semaphore_mem>> -> memref<!tpu.dma_semaphore, #tpu.memory_space<semaphore_mem>>
    %dma_start3A_59 = arith.constant 0 : i32
    %dma_start3A_60 = arith.constant 0 : i32
    %dma_start3A_61 = tpu.memref_slice %arg5[%dma_start3A_47, %dma_start3A_59, %dma_start3A_60] : memref<4x2x128xi32, #tpu.memory_space<vmem>> -> memref<1x2x128xi32, #tpu.memory_space<vmem>>
    %dma_start3A_62 = tpu.memref_squeeze %dma_start3A_61 : memref<1x2x128xi32, #tpu.memory_space<vmem>> -> memref<2x128xi32, #tpu.memory_space<vmem>>
    %dma_start3A_63 = arith.constant 0 : i32
    %dma_start3A_64 = arith.constant 0 : i32
    %dma_start3A_65 = tpu.memref_slice %arg3[%add3A, %dma_start3A_46, %dma_start3A_63, %dma_start3A_64] : memref<32x79x2x128xi32, #tpu.memory_space<hbm>> -> memref<1x1x2x128xi32, #tpu.memory_space<hbm>>
    %dma_start3A_66 = tpu.memref_squeeze %dma_start3A_65 : memref<1x1x2x128xi32, #tpu.memory_space<hbm>> -> memref<2x128xi32, #tpu.memory_space<hbm>>
    tpu.enqueue_dma source(%dma_start3A_66 : memref<2x128xi32, #tpu.memory_space<hbm>>) target(%dma_start3A_62 : memref<2x128xi32, #tpu.memory_space<vmem>>) target_semaphore(%dma_start3A_58 : memref<!tpu.dma_semaphore, #tpu.memory_space<semaphore_mem>>)
    %barrier3A = arith.constant 0 : index
    tpu.barrier barrier_id(%barrier3A)
    %dma_wait3A = arith.constant 0 : i32
    %dma_wait3A_67 = arith.constant 0 : i32
    %dma_wait3A_68 = arith.constant 0 : i32
    %dma_wait3A_69 = arith.constant 0 : i32
    %dma_wait3A_70 = arith.constant 0 : i32
    %dma_wait3A_71 = tpu.memref_slice %arg5[%dma_wait3A_67, %dma_wait3A_69, %dma_wait3A_70] : memref<4x2x128xi32, #tpu.memory_space<vmem>> -> memref<1x2x128xi32, #tpu.memory_space<vmem>>
    %dma_wait3A_72 = tpu.memref_squeeze %dma_wait3A_71 : memref<1x2x128xi32, #tpu.memory_space<vmem>> -> memref<2x128xi32, #tpu.memory_space<vmem>>
    %dma_wait3A_73 = arith.constant 0 : i32
    %dma_wait3A_74 = arith.constant 0 : i32
    %dma_wait3A_75 = tpu.memref_slice %arg3[%add3A, %dma_wait3A, %dma_wait3A_73, %dma_wait3A_74] : memref<32x79x2x128xi32, #tpu.memory_space<hbm>> -> memref<1x1x2x128xi32, #tpu.memory_space<hbm>>
    %dma_wait3A_76 = tpu.memref_squeeze %dma_wait3A_75 : memref<1x1x2x128xi32, #tpu.memory_space<hbm>> -> memref<2x128xi32, #tpu.memory_space<hbm>>
    %dma_wait3A_77 = tpu.memref_slice %arg8[%dma_wait3A_68] : memref<4x!tpu.dma_semaphore, #tpu.memory_space<semaphore_mem>> -> memref<1x!tpu.dma_semaphore, #tpu.memory_space<semaphore_mem>>
    %dma_wait3A_78 = tpu.memref_squeeze %dma_wait3A_77 : memref<1x!tpu.dma_semaphore, #tpu.memory_space<semaphore_mem>> -> memref<!tpu.dma_semaphore, #tpu.memory_space<semaphore_mem>>
    %dma_wait3A_79 = arith.constant 0 : i32
    %dma_wait3A_80 = arith.constant 0 : i32
    %dma_wait3A_81 = tpu.memref_slice %arg5[%dma_wait3A_67, %dma_wait3A_79, %dma_wait3A_80] : memref<4x2x128xi32, #tpu.memory_space<vmem>> -> memref<1x2x128xi32, #tpu.memory_space<vmem>>
    %dma_wait3A_82 = tpu.memref_squeeze %dma_wait3A_81 : memref<1x2x128xi32, #tpu.memory_space<vmem>> -> memref<2x128xi32, #tpu.memory_space<vmem>>
    %dma_wait3A_83 = arith.constant 0 : i32
    %dma_wait3A_84 = arith.constant 0 : i32
    %dma_wait3A_85 = tpu.memref_slice %arg3[%add3A, %dma_wait3A, %dma_wait3A_83, %dma_wait3A_84] : memref<32x79x2x128xi32, #tpu.memory_space<hbm>> -> memref<1x1x2x128xi32, #tpu.memory_space<hbm>>
    %dma_wait3A_86 = tpu.memref_squeeze %dma_wait3A_85 : memref<1x1x2x128xi32, #tpu.memory_space<hbm>> -> memref<2x128xi32, #tpu.memory_space<hbm>>
    tpu.wait_dma2 semaphore(%dma_wait3A_78 : memref<!tpu.dma_semaphore, #tpu.memory_space<semaphore_mem>>) src(%dma_wait3A_86 : memref<2x128xi32, #tpu.memory_space<hbm>>) dst(%dma_wait3A_82 : memref<2x128xi32, #tpu.memory_space<vmem>>)
    %dma_start3A_87 = arith.constant 0 : i32
    %dma_start3A_88 = arith.constant 0 : i32
    %dma_start3A_89 = arith.constant 0 : i32
    %dma_start3A_90 = arith.constant 0 : i32
    %dma_start3A_91 = arith.constant 0 : i32
    %dma_start3A_92 = arith.constant 0 : i32
    %dma_start3A_93 = tpu.memref_slice %arg6[%dma_start3A_89, %dma_start3A_91, %dma_start3A_92] : memref<2x128x128xf32, #tpu.memory_space<vmem>> -> memref<1x128x128xf32, #tpu.memory_space<vmem>>
    %dma_start3A_94 = tpu.memref_squeeze %dma_start3A_93 : memref<1x128x128xf32, #tpu.memory_space<vmem>> -> memref<128x128xf32, #tpu.memory_space<vmem>>
    %dma_start3A_95 = arith.constant 0 : i32
    %dma_start3A_96 = tpu.memref_slice %arg5[%dma_start3A_87, %dma_start3A_88, %dma_start3A_95] : memref<4x2x128xi32, #tpu.memory_space<vmem>> -> memref<1x1x128xi32, #tpu.memory_space<vmem>>
    %dma_start3A_97 = tpu.memref_squeeze %dma_start3A_96 : memref<1x1x128xi32, #tpu.memory_space<vmem>> -> memref<128xi32, #tpu.memory_space<vmem>>
    %dma_start3A_98 = arith.constant 0 : i32
    %dma_start3A_99 = arith.constant 0 : i32
    %dma_start3A_100 = tpu.memref_slice %arg2[%dma_start3A_98, %dma_start3A_99] : memref<10240x128xf32, #tpu.memory_space<hbm>> -> memref<10240x128xf32, #tpu.memory_space<hbm>>
    %dma_start3A_101 = tpu.memref_slice %arg9[%dma_start3A_90] : memref<2x!tpu.dma_semaphore, #tpu.memory_space<semaphore_mem>> -> memref<1x!tpu.dma_semaphore, #tpu.memory_space<semaphore_mem>>
    %dma_start3A_102 = tpu.memref_squeeze %dma_start3A_101 : memref<1x!tpu.dma_semaphore, #tpu.memory_space<semaphore_mem>> -> memref<!tpu.dma_semaphore, #tpu.memory_space<semaphore_mem>>
    tpu.enqueue_indirect_dma source(%dma_start3A_100 : memref<10240x128xf32, #tpu.memory_space<hbm>>) target(%dma_start3A_94 : memref<128x128xf32, #tpu.memory_space<vmem>>) offsets(%dma_start3A_97 : memref<128xi32, #tpu.memory_space<vmem>>) semaphore(%dma_start3A_102 : memref<!tpu.dma_semaphore, #tpu.memory_space<semaphore_mem>>)
    %scan3A = arith.constant 0 : i32
    %scan3A_103 = arith.constant 0 : i32
    %scan3A_104 = arith.constant 79 : i32
    %scan3A_105 = arith.addi %scan3A_103, %scan3A_104 : i32
    %scan3A_106 = arith.constant 1 : i32
    scf.for %scan3A_113 = %scan3A_103 to %scan3A_105 step %scan3A_106  : i32 {
      %rem3A = arith.constant 2 : i32
      %rem3A_114 = arith.remsi %scan3A_113, %rem3A : i32
      %rem3A_115 = arith.constant 4 : i32
      %rem3A_116 = arith.remsi %scan3A_113, %rem3A_115 : i32
      %dma_wait3A_117 = arith.constant 0 : i32
      %dma_wait3A_118 = arith.constant 0 : i32
      %dma_wait3A_119 = arith.constant 0 : i32
      %dma_wait3A_120 = tpu.memref_slice %arg6[%rem3A_114, %dma_wait3A_118, %dma_wait3A_119] : memref<2x128x128xf32, #tpu.memory_space<vmem>> -> memref<1x128x128xf32, #tpu.memory_space<vmem>>
      %dma_wait3A_121 = tpu.memref_squeeze %dma_wait3A_120 : memref<1x128x128xf32, #tpu.memory_space<vmem>> -> memref<128x128xf32, #tpu.memory_space<vmem>>
      %dma_wait3A_122 = arith.constant 0 : i32
      %dma_wait3A_123 = tpu.memref_slice %arg5[%rem3A_116, %dma_wait3A_117, %dma_wait3A_122] : memref<4x2x128xi32, #tpu.memory_space<vmem>> -> memref<1x1x128xi32, #tpu.memory_space<vmem>>
      %dma_wait3A_124 = tpu.memref_squeeze %dma_wait3A_123 : memref<1x1x128xi32, #tpu.memory_space<vmem>> -> memref<128xi32, #tpu.memory_space<vmem>>
      %dma_wait3A_125 = arith.constant 0 : i32
      %dma_wait3A_126 = arith.constant 0 : i32
      %dma_wait3A_127 = tpu.memref_slice %arg2[%dma_wait3A_125, %dma_wait3A_126] : memref<10240x128xf32, #tpu.memory_space<hbm>> -> memref<10240x128xf32, #tpu.memory_space<hbm>>
      %dma_wait3A_128 = tpu.memref_slice %arg9[%rem3A_114] : memref<2x!tpu.dma_semaphore, #tpu.memory_space<semaphore_mem>> -> memref<1x!tpu.dma_semaphore, #tpu.memory_space<semaphore_mem>>
      %dma_wait3A_129 = tpu.memref_squeeze %dma_wait3A_128 : memref<1x!tpu.dma_semaphore, #tpu.memory_space<semaphore_mem>> -> memref<!tpu.dma_semaphore, #tpu.memory_space<semaphore_mem>>
      tpu.wait_indirect_dma semaphore(%dma_wait3A_129 : memref<!tpu.dma_semaphore, #tpu.memory_space<semaphore_mem>>) src(%dma_wait3A_127 : memref<10240x128xf32, #tpu.memory_space<hbm>>) dst(%dma_wait3A_121 : memref<128x128xf32, #tpu.memory_space<vmem>>)
      %add3A_130 = arith.constant 4 : i32
      %add3A_131 = arith.addi %scan3A_113, %add3A_130 : i32
      %sub3A = arith.constant 1 : i32
      %sub3A_132 = arith.subi %add3A_131, %sub3A : i32
      %lt3A = arith.constant 79 : i32
      %lt3A_133 = arith.cmpi slt, %sub3A_132, %lt3A : i32
      %convert_element_type3A = arith.extui %lt3A_133 : i1 to i32
      %cond3A = arith.constant 0 : i32
      %cond3A_134 = arith.cmpi ne, %convert_element_type3A, %cond3A : i32
      scf.if %cond3A_134 {
        %rem3A_142 = arith.constant 4 : i32
        %rem3A_143 = arith.remsi %sub3A_132, %rem3A_142 : i32
        %dma_start3A_144 = arith.constant 0 : i32
        %dma_start3A_145 = arith.constant 0 : i32
        %dma_start3A_146 = tpu.memref_slice %arg5[%rem3A_143, %dma_start3A_144, %dma_start3A_145] : memref<4x2x128xi32, #tpu.memory_space<vmem>> -> memref<1x2x128xi32, #tpu.memory_space<vmem>>
        %dma_start3A_147 = tpu.memref_squeeze %dma_start3A_146 : memref<1x2x128xi32, #tpu.memory_space<vmem>> -> memref<2x128xi32, #tpu.memory_space<vmem>>
        %dma_start3A_148 = arith.constant 0 : i32
        %dma_start3A_149 = arith.constant 0 : i32
        %dma_start3A_150 = tpu.memref_slice %arg3[%add3A, %sub3A_132, %dma_start3A_148, %dma_start3A_149] : memref<32x79x2x128xi32, #tpu.memory_space<hbm>> -> memref<1x1x2x128xi32, #tpu.memory_space<hbm>>
        %dma_start3A_151 = tpu.memref_squeeze %dma_start3A_150 : memref<1x1x2x128xi32, #tpu.memory_space<hbm>> -> memref<2x128xi32, #tpu.memory_space<hbm>>
        %dma_start3A_152 = tpu.memref_slice %arg8[%rem3A_143] : memref<4x!tpu.dma_semaphore, #tpu.memory_space<semaphore_mem>> -> memref<1x!tpu.dma_semaphore, #tpu.memory_space<semaphore_mem>>
        %dma_start3A_153 = tpu.memref_squeeze %dma_start3A_152 : memref<1x!tpu.dma_semaphore, #tpu.memory_space<semaphore_mem>> -> memref<!tpu.dma_semaphore, #tpu.memory_space<semaphore_mem>>
        %dma_start3A_154 = arith.constant 0 : i32
        %dma_start3A_155 = arith.constant 0 : i32
        %dma_start3A_156 = tpu.memref_slice %arg5[%rem3A_143, %dma_start3A_154, %dma_start3A_155] : memref<4x2x128xi32, #tpu.memory_space<vmem>> -> memref<1x2x128xi32, #tpu.memory_space<vmem>>
        %dma_start3A_157 = tpu.memref_squeeze %dma_start3A_156 : memref<1x2x128xi32, #tpu.memory_space<vmem>> -> memref<2x128xi32, #tpu.memory_space<vmem>>
        %dma_start3A_158 = arith.constant 0 : i32
        %dma_start3A_159 = arith.constant 0 : i32
        %dma_start3A_160 = tpu.memref_slice %arg3[%add3A, %sub3A_132, %dma_start3A_158, %dma_start3A_159] : memref<32x79x2x128xi32, #tpu.memory_space<hbm>> -> memref<1x1x2x128xi32, #tpu.memory_space<hbm>>
        %dma_start3A_161 = tpu.memref_squeeze %dma_start3A_160 : memref<1x1x2x128xi32, #tpu.memory_space<hbm>> -> memref<2x128xi32, #tpu.memory_space<hbm>>
        tpu.enqueue_dma source(%dma_start3A_161 : memref<2x128xi32, #tpu.memory_space<hbm>>) target(%dma_start3A_157 : memref<2x128xi32, #tpu.memory_space<vmem>>) target_semaphore(%dma_start3A_153 : memref<!tpu.dma_semaphore, #tpu.memory_space<semaphore_mem>>)
      } else {
      }
      %add3A_135 = arith.constant 1 : i32
      %add3A_136 = arith.addi %scan3A_113, %add3A_135 : i32
      %lt3A_137 = arith.constant 79 : i32
      %lt3A_138 = arith.cmpi slt, %add3A_136, %lt3A_137 : i32
      %convert_element_type3A_139 = arith.extui %lt3A_138 : i1 to i32
      %cond3A_140 = arith.constant 0 : i32
      %cond3A_141 = arith.cmpi ne, %convert_element_type3A_139, %cond3A_140 : i32
      scf.if %cond3A_141 {
        %rem3A_142 = arith.constant 4 : i32
        %rem3A_143 = arith.remsi %add3A_136, %rem3A_142 : i32
        %rem3A_144 = arith.constant 2 : i32
        %rem3A_145 = arith.remsi %add3A_136, %rem3A_144 : i32
        %dma_wait3A_146 = arith.constant 0 : i32
        %dma_wait3A_147 = arith.constant 0 : i32
        %dma_wait3A_148 = tpu.memref_slice %arg5[%rem3A_143, %dma_wait3A_146, %dma_wait3A_147] : memref<4x2x128xi32, #tpu.memory_space<vmem>> -> memref<1x2x128xi32, #tpu.memory_space<vmem>>
        %dma_wait3A_149 = tpu.memref_squeeze %dma_wait3A_148 : memref<1x2x128xi32, #tpu.memory_space<vmem>> -> memref<2x128xi32, #tpu.memory_space<vmem>>
        %dma_wait3A_150 = arith.constant 0 : i32
        %dma_wait3A_151 = arith.constant 0 : i32
        %dma_wait3A_152 = tpu.memref_slice %arg3[%add3A, %add3A_136, %dma_wait3A_150, %dma_wait3A_151] : memref<32x79x2x128xi32, #tpu.memory_space<hbm>> -> memref<1x1x2x128xi32, #tpu.memory_space<hbm>>
        %dma_wait3A_153 = tpu.memref_squeeze %dma_wait3A_152 : memref<1x1x2x128xi32, #tpu.memory_space<hbm>> -> memref<2x128xi32, #tpu.memory_space<hbm>>
        %dma_wait3A_154 = tpu.memref_slice %arg8[%rem3A_143] : memref<4x!tpu.dma_semaphore, #tpu.memory_space<semaphore_mem>> -> memref<1x!tpu.dma_semaphore, #tpu.memory_space<semaphore_mem>>
        %dma_wait3A_155 = tpu.memref_squeeze %dma_wait3A_154 : memref<1x!tpu.dma_semaphore, #tpu.memory_space<semaphore_mem>> -> memref<!tpu.dma_semaphore, #tpu.memory_space<semaphore_mem>>
        %dma_wait3A_156 = arith.constant 0 : i32
        %dma_wait3A_157 = arith.constant 0 : i32
        %dma_wait3A_158 = tpu.memref_slice %arg5[%rem3A_143, %dma_wait3A_156, %dma_wait3A_157] : memref<4x2x128xi32, #tpu.memory_space<vmem>> -> memref<1x2x128xi32, #tpu.memory_space<vmem>>
        %dma_wait3A_159 = tpu.memref_squeeze %dma_wait3A_158 : memref<1x2x128xi32, #tpu.memory_space<vmem>> -> memref<2x128xi32, #tpu.memory_space<vmem>>
        %dma_wait3A_160 = arith.constant 0 : i32
        %dma_wait3A_161 = arith.constant 0 : i32
        %dma_wait3A_162 = tpu.memref_slice %arg3[%add3A, %add3A_136, %dma_wait3A_160, %dma_wait3A_161] : memref<32x79x2x128xi32, #tpu.memory_space<hbm>> -> memref<1x1x2x128xi32, #tpu.memory_space<hbm>>
        %dma_wait3A_163 = tpu.memref_squeeze %dma_wait3A_162 : memref<1x1x2x128xi32, #tpu.memory_space<hbm>> -> memref<2x128xi32, #tpu.memory_space<hbm>>
        tpu.wait_dma2 semaphore(%dma_wait3A_155 : memref<!tpu.dma_semaphore, #tpu.memory_space<semaphore_mem>>) src(%dma_wait3A_163 : memref<2x128xi32, #tpu.memory_space<hbm>>) dst(%dma_wait3A_159 : memref<2x128xi32, #tpu.memory_space<vmem>>)
        %dma_start3A_164 = arith.constant 0 : i32
        %dma_start3A_165 = arith.constant 0 : i32
        %dma_start3A_166 = arith.constant 0 : i32
        %dma_start3A_167 = tpu.memref_slice %arg6[%rem3A_145, %dma_start3A_165, %dma_start3A_166] : memref<2x128x128xf32, #tpu.memory_space<vmem>> -> memref<1x128x128xf32, #tpu.memory_space<vmem>>
        %dma_start3A_168 = tpu.memref_squeeze %dma_start3A_167 : memref<1x128x128xf32, #tpu.memory_space<vmem>> -> memref<128x128xf32, #tpu.memory_space<vmem>>
        %dma_start3A_169 = arith.constant 0 : i32
        %dma_start3A_170 = tpu.memref_slice %arg5[%rem3A_143, %dma_start3A_164, %dma_start3A_169] : memref<4x2x128xi32, #tpu.memory_space<vmem>> -> memref<1x1x128xi32, #tpu.memory_space<vmem>>
        %dma_start3A_171 = tpu.memref_squeeze %dma_start3A_170 : memref<1x1x128xi32, #tpu.memory_space<vmem>> -> memref<128xi32, #tpu.memory_space<vmem>>
        %dma_start3A_172 = arith.constant 0 : i32
        %dma_start3A_173 = arith.constant 0 : i32
        %dma_start3A_174 = tpu.memref_slice %arg2[%dma_start3A_172, %dma_start3A_173] : memref<10240x128xf32, #tpu.memory_space<hbm>> -> memref<10240x128xf32, #tpu.memory_space<hbm>>
        %dma_start3A_175 = tpu.memref_slice %arg9[%rem3A_145] : memref<2x!tpu.dma_semaphore, #tpu.memory_space<semaphore_mem>> -> memref<1x!tpu.dma_semaphore, #tpu.memory_space<semaphore_mem>>
        %dma_start3A_176 = tpu.memref_squeeze %dma_start3A_175 : memref<1x!tpu.dma_semaphore, #tpu.memory_space<semaphore_mem>> -> memref<!tpu.dma_semaphore, #tpu.memory_space<semaphore_mem>>
        tpu.enqueue_indirect_dma source(%dma_start3A_174 : memref<10240x128xf32, #tpu.memory_space<hbm>>) target(%dma_start3A_168 : memref<128x128xf32, #tpu.memory_space<vmem>>) offsets(%dma_start3A_171 : memref<128xi32, #tpu.memory_space<vmem>>) semaphore(%dma_start3A_176 : memref<!tpu.dma_semaphore, #tpu.memory_space<semaphore_mem>>)
      } else {
      }
      %run_scoped3A = arith.constant 1 : i32
      "tpu.region"() ({
        %run_scoped3A_142 = tpu.sem_alloc : memref<!tpu.dma_semaphore, #tpu.memory_space<semaphore_mem>>
        %dma_start3A_143 = arith.constant 0 : i32
        %dma_start3A_144 = arith.constant 0 : i32
        %dma_start3A_145 = tpu.memref_slice %arg6[%rem3A_114, %dma_start3A_143, %dma_start3A_144] : memref<2x128x128xf32, #tpu.memory_space<vmem>> -> memref<1x128x128xf32, #tpu.memory_space<vmem>>
        %dma_start3A_146 = tpu.memref_squeeze %dma_start3A_145 : memref<1x128x128xf32, #tpu.memory_space<vmem>> -> memref<128x128xf32, #tpu.memory_space<vmem>>
        %dma_start3A_147 = arith.constant 0 : i32
        %dma_start3A_148 = tpu.memref_slice %arg5[%rem3A_116, %run_scoped3A, %dma_start3A_147] : memref<4x2x128xi32, #tpu.memory_space<vmem>> -> memref<1x1x128xi32, #tpu.memory_space<vmem>>
        %dma_start3A_149 = tpu.memref_squeeze %dma_start3A_148 : memref<1x1x128xi32, #tpu.memory_space<vmem>> -> memref<128xi32, #tpu.memory_space<vmem>>
        %dma_start3A_150 = arith.constant 0 : i32
        %dma_start3A_151 = arith.constant 0 : i32
        %dma_start3A_152 = tpu.memref_slice %arg7[%dma_start3A_150, %dma_start3A_151] : memref<10240x128xf32, #tpu.memory_space<vmem_shared>> -> memref<10240x128xf32, #tpu.memory_space<vmem_shared>>
        tpu.enqueue_indirect_dma source(%dma_start3A_146 : memref<128x128xf32, #tpu.memory_space<vmem>>) target(%dma_start3A_152 : memref<10240x128xf32, #tpu.memory_space<vmem_shared>>) offsets(%dma_start3A_149 : memref<128xi32, #tpu.memory_space<vmem>>) semaphore(%run_scoped3A_142 : memref<!tpu.dma_semaphore, #tpu.memory_space<semaphore_mem>>) {add = true}
        %dma_wait3A_153 = arith.constant 0 : i32
        %dma_wait3A_154 = arith.constant 0 : i32
        %dma_wait3A_155 = tpu.memref_slice %arg6[%rem3A_114, %dma_wait3A_153, %dma_wait3A_154] : memref<2x128x128xf32, #tpu.memory_space<vmem>> -> memref<1x128x128xf32, #tpu.memory_space<vmem>>
        %dma_wait3A_156 = tpu.memref_squeeze %dma_wait3A_155 : memref<1x128x128xf32, #tpu.memory_space<vmem>> -> memref<128x128xf32, #tpu.memory_space<vmem>>
        %dma_wait3A_157 = arith.constant 0 : i32
        %dma_wait3A_158 = tpu.memref_slice %arg5[%rem3A_116, %run_scoped3A, %dma_wait3A_157] : memref<4x2x128xi32, #tpu.memory_space<vmem>> -> memref<1x1x128xi32, #tpu.memory_space<vmem>>
        %dma_wait3A_159 = tpu.memref_squeeze %dma_wait3A_158 : memref<1x1x128xi32, #tpu.memory_space<vmem>> -> memref<128xi32, #tpu.memory_space<vmem>>
        %dma_wait3A_160 = arith.constant 0 : i32
        %dma_wait3A_161 = arith.constant 0 : i32
        %dma_wait3A_162 = tpu.memref_slice %arg7[%dma_wait3A_160, %dma_wait3A_161] : memref<10240x128xf32, #tpu.memory_space<vmem_shared>> -> memref<10240x128xf32, #tpu.memory_space<vmem_shared>>
        tpu.wait_indirect_dma semaphore(%run_scoped3A_142 : memref<!tpu.dma_semaphore, #tpu.memory_space<semaphore_mem>>) src(%dma_wait3A_156 : memref<128x128xf32, #tpu.memory_space<vmem>>) dst(%dma_wait3A_162 : memref<10240x128xf32, #tpu.memory_space<vmem_shared>>)
        tpu.yield
      }) : () -> ()
    }
    %scan3A_107 = arith.constant 79 : i32
    %barrier3A_108 = arith.constant 0 : index
    tpu.barrier barrier_id(%barrier3A_108)
    %mul3A_109 = arith.constant 640 : i32
    %mul3A_110 = arith.muli %arg1, %mul3A_109 : i32
    %mul3A_111 = arith.constant 640 : i32
    %mul3A_112 = arith.muli %arg1, %mul3A_111 : i32
    "tpu.region"() ({
      %run_scoped3A = tpu.sem_alloc : memref<!tpu.dma_semaphore, #tpu.memory_space<semaphore_mem>>
      %dma_start3A_113 = arith.constant 0 : i32
      %dma_start3A_114 = tpu.memref_slice %arg4[%arg0, %mul3A_112, %dma_start3A_113] : memref<2x10240x128xf32, #tpu.memory_space<hbm>> -> memref<1x640x128xf32, #tpu.memory_space<hbm>>
      %dma_start3A_115 = tpu.memref_squeeze %dma_start3A_114 : memref<1x640x128xf32, #tpu.memory_space<hbm>> -> memref<640x128xf32, #tpu.memory_space<hbm>>
      %dma_start3A_116 = arith.constant 0 : i32
      %dma_start3A_117 = tpu.memref_slice %arg7[%mul3A_110, %dma_start3A_116] : memref<10240x128xf32, #tpu.memory_space<vmem_shared>> -> memref<640x128xf32, #tpu.memory_space<vmem_shared>>
      tpu.enqueue_dma source(%dma_start3A_117 : memref<640x128xf32, #tpu.memory_space<vmem_shared>>) target(%dma_start3A_115 : memref<640x128xf32, #tpu.memory_space<hbm>>) target_semaphore(%run_scoped3A : memref<!tpu.dma_semaphore, #tpu.memory_space<semaphore_mem>>)
      %dma_wait3A_118 = arith.constant 0 : i32
      %dma_wait3A_119 = tpu.memref_slice %arg4[%arg0, %mul3A_112, %dma_wait3A_118] : memref<2x10240x128xf32, #tpu.memory_space<hbm>> -> memref<1x640x128xf32, #tpu.memory_space<hbm>>
      %dma_wait3A_120 = tpu.memref_squeeze %dma_wait3A_119 : memref<1x640x128xf32, #tpu.memory_space<hbm>> -> memref<640x128xf32, #tpu.memory_space<hbm>>
      %dma_wait3A_121 = arith.constant 0 : i32
      %dma_wait3A_122 = tpu.memref_slice %arg7[%mul3A_110, %dma_wait3A_121] : memref<10240x128xf32, #tpu.memory_space<vmem_shared>> -> memref<640x128xf32, #tpu.memory_space<vmem_shared>>
      tpu.wait_dma2 semaphore(%run_scoped3A : memref<!tpu.dma_semaphore, #tpu.memory_space<semaphore_mem>>) src(%dma_wait3A_122 : memref<640x128xf32, #tpu.memory_space<vmem_shared>>) dst(%dma_wait3A_120 : memref<640x128xf32, #tpu.memory_space<hbm>>)
      tpu.yield
    }) : () -> ()
    return
  }
}

#map = affine_map<(d0, d1) -> (0, 0)>
#map1 = affine_map<(d0, d1) -> (0, 0, 0, 0)>
#map2 = affine_map<(d0, d1) -> (0, 0, 0)>
module attributes {stable_mosaic.version = 14 : i64} {
  func.func @_edge_body(%arg0: i32, %arg1: i32, %arg2: memref<10240x40xf32, #tpu.memory_space<hbm>>, %arg3: memref<32x79x2x128xi32, #tpu.memory_space<hbm>>, %arg4: memref<2x10240x40xf32, #tpu.memory_space<hbm>>, %arg5: memref<4x2x128xi32, #tpu.memory_space<vmem>>, %arg6: memref<2x128x40xf32, #tpu.memory_space<vmem>>, %arg7: memref<10240x40xf32, #tpu.memory_space<vmem_shared>>, %arg8: memref<4x!tpu.dma_semaphore, #tpu.memory_space<semaphore_mem>>, %arg9: memref<2x!tpu.dma_semaphore, #tpu.memory_space<semaphore_mem>>) attributes {dimension_semantics = [#tpu.dimension_semantics<core_parallel>, #tpu.dimension_semantics<subcore_parallel>], iteration_bounds = array<i64: 2, 16>, scalar_prefetch = 0 : i64, scratch_operands = 5 : i64, tpu.core_type = #tpu.core_type<sc_vector_subcore>, window_params = [{transform_indices = #map}, {transform_indices = #map1}, {transform_indices = #map2}]} {
    %mul3A = arith.constant 16 : i32
    %mul3A_0 = arith.muli %arg0, %mul3A : i32
    %add3A = arith.addi %mul3A_0, %arg1 : i32
    %mul3A_1 = arith.constant 640 : i32
    %mul3A_2 = arith.muli %arg1, %mul3A_1 : i32
    %mul3A_3 = arith.constant 640 : i32
    %mul3A_4 = arith.muli %arg1, %mul3A_3 : i32
    "tpu.region"() ({
      %run_scoped3A = tpu.sem_alloc : memref<!tpu.dma_semaphore, #tpu.memory_space<semaphore_mem>>
      %dma_start3A_113 = arith.constant 0 : i32
      %dma_start3A_114 = tpu.memref_slice %arg7[%mul3A_4, %dma_start3A_113] : memref<10240x40xf32, #tpu.memory_space<vmem_shared>> -> memref<640x40xf32, #tpu.memory_space<vmem_shared>>
      %dma_start3A_115 = arith.constant 0 : i32
      %dma_start3A_116 = tpu.memref_slice %arg2[%mul3A_2, %dma_start3A_115] : memref<10240x40xf32, #tpu.memory_space<hbm>> -> memref<640x40xf32, #tpu.memory_space<hbm>>
      tpu.enqueue_dma source(%dma_start3A_116 : memref<640x40xf32, #tpu.memory_space<hbm>>) target(%dma_start3A_114 : memref<640x40xf32, #tpu.memory_space<vmem_shared>>) target_semaphore(%run_scoped3A : memref<!tpu.dma_semaphore, #tpu.memory_space<semaphore_mem>>)
      %dma_wait3A_117 = arith.constant 0 : i32
      %dma_wait3A_118 = tpu.memref_slice %arg7[%mul3A_4, %dma_wait3A_117] : memref<10240x40xf32, #tpu.memory_space<vmem_shared>> -> memref<640x40xf32, #tpu.memory_space<vmem_shared>>
      %dma_wait3A_119 = arith.constant 0 : i32
      %dma_wait3A_120 = tpu.memref_slice %arg2[%mul3A_2, %dma_wait3A_119] : memref<10240x40xf32, #tpu.memory_space<hbm>> -> memref<640x40xf32, #tpu.memory_space<hbm>>
      tpu.wait_dma2 semaphore(%run_scoped3A : memref<!tpu.dma_semaphore, #tpu.memory_space<semaphore_mem>>) src(%dma_wait3A_120 : memref<640x40xf32, #tpu.memory_space<hbm>>) dst(%dma_wait3A_118 : memref<640x40xf32, #tpu.memory_space<vmem_shared>>)
      tpu.yield
    }) : () -> ()
    %dma_start3A = arith.constant 0 : i32
    %dma_start3A_5 = arith.constant 0 : i32
    %dma_start3A_6 = arith.constant 0 : i32
    %dma_start3A_7 = arith.constant 0 : i32
    %dma_start3A_8 = arith.constant 0 : i32
    %dma_start3A_9 = tpu.memref_slice %arg5[%dma_start3A_5, %dma_start3A_7, %dma_start3A_8] : memref<4x2x128xi32, #tpu.memory_space<vmem>> -> memref<1x2x128xi32, #tpu.memory_space<vmem>>
    %dma_start3A_10 = tpu.memref_squeeze %dma_start3A_9 : memref<1x2x128xi32, #tpu.memory_space<vmem>> -> memref<2x128xi32, #tpu.memory_space<vmem>>
    %dma_start3A_11 = arith.constant 0 : i32
    %dma_start3A_12 = arith.constant 0 : i32
    %dma_start3A_13 = tpu.memref_slice %arg3[%add3A, %dma_start3A, %dma_start3A_11, %dma_start3A_12] : memref<32x79x2x128xi32, #tpu.memory_space<hbm>> -> memref<1x1x2x128xi32, #tpu.memory_space<hbm>>
    %dma_start3A_14 = tpu.memref_squeeze %dma_start3A_13 : memref<1x1x2x128xi32, #tpu.memory_space<hbm>> -> memref<2x128xi32, #tpu.memory_space<hbm>>
    %dma_start3A_15 = tpu.memref_slice %arg8[%dma_start3A_6] : memref<4x!tpu.dma_semaphore, #tpu.memory_space<semaphore_mem>> -> memref<1x!tpu.dma_semaphore, #tpu.memory_space<semaphore_mem>>
    %dma_start3A_16 = tpu.memref_squeeze %dma_start3A_15 : memref<1x!tpu.dma_semaphore, #tpu.memory_space<semaphore_mem>> -> memref<!tpu.dma_semaphore, #tpu.memory_space<semaphore_mem>>
    %dma_start3A_17 = arith.constant 0 : i32
    %dma_start3A_18 = arith.constant 0 : i32
    %dma_start3A_19 = tpu.memref_slice %arg5[%dma_start3A_5, %dma_start3A_17, %dma_start3A_18] : memref<4x2x128xi32, #tpu.memory_space<vmem>> -> memref<1x2x128xi32, #tpu.memory_space<vmem>>
    %dma_start3A_20 = tpu.memref_squeeze %dma_start3A_19 : memref<1x2x128xi32, #tpu.memory_space<vmem>> -> memref<2x128xi32, #tpu.memory_space<vmem>>
    %dma_start3A_21 = arith.constant 0 : i32
    %dma_start3A_22 = arith.constant 0 : i32
    %dma_start3A_23 = tpu.memref_slice %arg3[%add3A, %dma_start3A, %dma_start3A_21, %dma_start3A_22] : memref<32x79x2x128xi32, #tpu.memory_space<hbm>> -> memref<1x1x2x128xi32, #tpu.memory_space<hbm>>
    %dma_start3A_24 = tpu.memref_squeeze %dma_start3A_23 : memref<1x1x2x128xi32, #tpu.memory_space<hbm>> -> memref<2x128xi32, #tpu.memory_space<hbm>>
    tpu.enqueue_dma source(%dma_start3A_24 : memref<2x128xi32, #tpu.memory_space<hbm>>) target(%dma_start3A_20 : memref<2x128xi32, #tpu.memory_space<vmem>>) target_semaphore(%dma_start3A_16 : memref<!tpu.dma_semaphore, #tpu.memory_space<semaphore_mem>>)
    %dma_start3A_25 = arith.constant 1 : i32
    %dma_start3A_26 = arith.constant 1 : i32
    %dma_start3A_27 = arith.constant 1 : i32
    %dma_start3A_28 = arith.constant 0 : i32
    %dma_start3A_29 = arith.constant 0 : i32
    %dma_start3A_30 = tpu.memref_slice %arg5[%dma_start3A_26, %dma_start3A_28, %dma_start3A_29] : memref<4x2x128xi32, #tpu.memory_space<vmem>> -> memref<1x2x128xi32, #tpu.memory_space<vmem>>
    %dma_start3A_31 = tpu.memref_squeeze %dma_start3A_30 : memref<1x2x128xi32, #tpu.memory_space<vmem>> -> memref<2x128xi32, #tpu.memory_space<vmem>>
    %dma_start3A_32 = arith.constant 0 : i32
    %dma_start3A_33 = arith.constant 0 : i32
    %dma_start3A_34 = tpu.memref_slice %arg3[%add3A, %dma_start3A_25, %dma_start3A_32, %dma_start3A_33] : memref<32x79x2x128xi32, #tpu.memory_space<hbm>> -> memref<1x1x2x128xi32, #tpu.memory_space<hbm>>
    %dma_start3A_35 = tpu.memref_squeeze %dma_start3A_34 : memref<1x1x2x128xi32, #tpu.memory_space<hbm>> -> memref<2x128xi32, #tpu.memory_space<hbm>>
    %dma_start3A_36 = tpu.memref_slice %arg8[%dma_start3A_27] : memref<4x!tpu.dma_semaphore, #tpu.memory_space<semaphore_mem>> -> memref<1x!tpu.dma_semaphore, #tpu.memory_space<semaphore_mem>>
    %dma_start3A_37 = tpu.memref_squeeze %dma_start3A_36 : memref<1x!tpu.dma_semaphore, #tpu.memory_space<semaphore_mem>> -> memref<!tpu.dma_semaphore, #tpu.memory_space<semaphore_mem>>
    %dma_start3A_38 = arith.constant 0 : i32
    %dma_start3A_39 = arith.constant 0 : i32
    %dma_start3A_40 = tpu.memref_slice %arg5[%dma_start3A_26, %dma_start3A_38, %dma_start3A_39] : memref<4x2x128xi32, #tpu.memory_space<vmem>> -> memref<1x2x128xi32, #tpu.memory_space<vmem>>
    %dma_start3A_41 = tpu.memref_squeeze %dma_start3A_40 : memref<1x2x128xi32, #tpu.memory_space<vmem>> -> memref<2x128xi32, #tpu.memory_space<vmem>>
    %dma_start3A_42 = arith.constant 0 : i32
    %dma_start3A_43 = arith.constant 0 : i32
    %dma_start3A_44 = tpu.memref_slice %arg3[%add3A, %dma_start3A_25, %dma_start3A_42, %dma_start3A_43] : memref<32x79x2x128xi32, #tpu.memory_space<hbm>> -> memref<1x1x2x128xi32, #tpu.memory_space<hbm>>
    %dma_start3A_45 = tpu.memref_squeeze %dma_start3A_44 : memref<1x1x2x128xi32, #tpu.memory_space<hbm>> -> memref<2x128xi32, #tpu.memory_space<hbm>>
    tpu.enqueue_dma source(%dma_start3A_45 : memref<2x128xi32, #tpu.memory_space<hbm>>) target(%dma_start3A_41 : memref<2x128xi32, #tpu.memory_space<vmem>>) target_semaphore(%dma_start3A_37 : memref<!tpu.dma_semaphore, #tpu.memory_space<semaphore_mem>>)
    %dma_start3A_46 = arith.constant 2 : i32
    %dma_start3A_47 = arith.constant 2 : i32
    %dma_start3A_48 = arith.constant 2 : i32
    %dma_start3A_49 = arith.constant 0 : i32
    %dma_start3A_50 = arith.constant 0 : i32
    %dma_start3A_51 = tpu.memref_slice %arg5[%dma_start3A_47, %dma_start3A_49, %dma_start3A_50] : memref<4x2x128xi32, #tpu.memory_space<vmem>> -> memref<1x2x128xi32, #tpu.memory_space<vmem>>
    %dma_start3A_52 = tpu.memref_squeeze %dma_start3A_51 : memref<1x2x128xi32, #tpu.memory_space<vmem>> -> memref<2x128xi32, #tpu.memory_space<vmem>>
    %dma_start3A_53 = arith.constant 0 : i32
    %dma_start3A_54 = arith.constant 0 : i32
    %dma_start3A_55 = tpu.memref_slice %arg3[%add3A, %dma_start3A_46, %dma_start3A_53, %dma_start3A_54] : memref<32x79x2x128xi32, #tpu.memory_space<hbm>> -> memref<1x1x2x128xi32, #tpu.memory_space<hbm>>
    %dma_start3A_56 = tpu.memref_squeeze %dma_start3A_55 : memref<1x1x2x128xi32, #tpu.memory_space<hbm>> -> memref<2x128xi32, #tpu.memory_space<hbm>>
    %dma_start3A_57 = tpu.memref_slice %arg8[%dma_start3A_48] : memref<4x!tpu.dma_semaphore, #tpu.memory_space<semaphore_mem>> -> memref<1x!tpu.dma_semaphore, #tpu.memory_space<semaphore_mem>>
    %dma_start3A_58 = tpu.memref_squeeze %dma_start3A_57 : memref<1x!tpu.dma_semaphore, #tpu.memory_space<semaphore_mem>> -> memref<!tpu.dma_semaphore, #tpu.memory_space<semaphore_mem>>
    %dma_start3A_59 = arith.constant 0 : i32
    %dma_start3A_60 = arith.constant 0 : i32
    %dma_start3A_61 = tpu.memref_slice %arg5[%dma_start3A_47, %dma_start3A_59, %dma_start3A_60] : memref<4x2x128xi32, #tpu.memory_space<vmem>> -> memref<1x2x128xi32, #tpu.memory_space<vmem>>
    %dma_start3A_62 = tpu.memref_squeeze %dma_start3A_61 : memref<1x2x128xi32, #tpu.memory_space<vmem>> -> memref<2x128xi32, #tpu.memory_space<vmem>>
    %dma_start3A_63 = arith.constant 0 : i32
    %dma_start3A_64 = arith.constant 0 : i32
    %dma_start3A_65 = tpu.memref_slice %arg3[%add3A, %dma_start3A_46, %dma_start3A_63, %dma_start3A_64] : memref<32x79x2x128xi32, #tpu.memory_space<hbm>> -> memref<1x1x2x128xi32, #tpu.memory_space<hbm>>
    %dma_start3A_66 = tpu.memref_squeeze %dma_start3A_65 : memref<1x1x2x128xi32, #tpu.memory_space<hbm>> -> memref<2x128xi32, #tpu.memory_space<hbm>>
    tpu.enqueue_dma source(%dma_start3A_66 : memref<2x128xi32, #tpu.memory_space<hbm>>) target(%dma_start3A_62 : memref<2x128xi32, #tpu.memory_space<vmem>>) target_semaphore(%dma_start3A_58 : memref<!tpu.dma_semaphore, #tpu.memory_space<semaphore_mem>>)
    %barrier3A = arith.constant 0 : index
    tpu.barrier barrier_id(%barrier3A)
    %dma_wait3A = arith.constant 0 : i32
    %dma_wait3A_67 = arith.constant 0 : i32
    %dma_wait3A_68 = arith.constant 0 : i32
    %dma_wait3A_69 = arith.constant 0 : i32
    %dma_wait3A_70 = arith.constant 0 : i32
    %dma_wait3A_71 = tpu.memref_slice %arg5[%dma_wait3A_67, %dma_wait3A_69, %dma_wait3A_70] : memref<4x2x128xi32, #tpu.memory_space<vmem>> -> memref<1x2x128xi32, #tpu.memory_space<vmem>>
    %dma_wait3A_72 = tpu.memref_squeeze %dma_wait3A_71 : memref<1x2x128xi32, #tpu.memory_space<vmem>> -> memref<2x128xi32, #tpu.memory_space<vmem>>
    %dma_wait3A_73 = arith.constant 0 : i32
    %dma_wait3A_74 = arith.constant 0 : i32
    %dma_wait3A_75 = tpu.memref_slice %arg3[%add3A, %dma_wait3A, %dma_wait3A_73, %dma_wait3A_74] : memref<32x79x2x128xi32, #tpu.memory_space<hbm>> -> memref<1x1x2x128xi32, #tpu.memory_space<hbm>>
    %dma_wait3A_76 = tpu.memref_squeeze %dma_wait3A_75 : memref<1x1x2x128xi32, #tpu.memory_space<hbm>> -> memref<2x128xi32, #tpu.memory_space<hbm>>
    %dma_wait3A_77 = tpu.memref_slice %arg8[%dma_wait3A_68] : memref<4x!tpu.dma_semaphore, #tpu.memory_space<semaphore_mem>> -> memref<1x!tpu.dma_semaphore, #tpu.memory_space<semaphore_mem>>
    %dma_wait3A_78 = tpu.memref_squeeze %dma_wait3A_77 : memref<1x!tpu.dma_semaphore, #tpu.memory_space<semaphore_mem>> -> memref<!tpu.dma_semaphore, #tpu.memory_space<semaphore_mem>>
    %dma_wait3A_79 = arith.constant 0 : i32
    %dma_wait3A_80 = arith.constant 0 : i32
    %dma_wait3A_81 = tpu.memref_slice %arg5[%dma_wait3A_67, %dma_wait3A_79, %dma_wait3A_80] : memref<4x2x128xi32, #tpu.memory_space<vmem>> -> memref<1x2x128xi32, #tpu.memory_space<vmem>>
    %dma_wait3A_82 = tpu.memref_squeeze %dma_wait3A_81 : memref<1x2x128xi32, #tpu.memory_space<vmem>> -> memref<2x128xi32, #tpu.memory_space<vmem>>
    %dma_wait3A_83 = arith.constant 0 : i32
    %dma_wait3A_84 = arith.constant 0 : i32
    %dma_wait3A_85 = tpu.memref_slice %arg3[%add3A, %dma_wait3A, %dma_wait3A_83, %dma_wait3A_84] : memref<32x79x2x128xi32, #tpu.memory_space<hbm>> -> memref<1x1x2x128xi32, #tpu.memory_space<hbm>>
    %dma_wait3A_86 = tpu.memref_squeeze %dma_wait3A_85 : memref<1x1x2x128xi32, #tpu.memory_space<hbm>> -> memref<2x128xi32, #tpu.memory_space<hbm>>
    tpu.wait_dma2 semaphore(%dma_wait3A_78 : memref<!tpu.dma_semaphore, #tpu.memory_space<semaphore_mem>>) src(%dma_wait3A_86 : memref<2x128xi32, #tpu.memory_space<hbm>>) dst(%dma_wait3A_82 : memref<2x128xi32, #tpu.memory_space<vmem>>)
    %dma_start3A_87 = arith.constant 0 : i32
    %dma_start3A_88 = arith.constant 0 : i32
    %dma_start3A_89 = arith.constant 0 : i32
    %dma_start3A_90 = arith.constant 0 : i32
    %dma_start3A_91 = arith.constant 0 : i32
    %dma_start3A_92 = arith.constant 0 : i32
    %dma_start3A_93 = tpu.memref_slice %arg6[%dma_start3A_89, %dma_start3A_91, %dma_start3A_92] : memref<2x128x40xf32, #tpu.memory_space<vmem>> -> memref<1x128x40xf32, #tpu.memory_space<vmem>>
    %dma_start3A_94 = tpu.memref_squeeze %dma_start3A_93 : memref<1x128x40xf32, #tpu.memory_space<vmem>> -> memref<128x40xf32, #tpu.memory_space<vmem>>
    %dma_start3A_95 = arith.constant 0 : i32
    %dma_start3A_96 = tpu.memref_slice %arg5[%dma_start3A_87, %dma_start3A_88, %dma_start3A_95] : memref<4x2x128xi32, #tpu.memory_space<vmem>> -> memref<1x1x128xi32, #tpu.memory_space<vmem>>
    %dma_start3A_97 = tpu.memref_squeeze %dma_start3A_96 : memref<1x1x128xi32, #tpu.memory_space<vmem>> -> memref<128xi32, #tpu.memory_space<vmem>>
    %dma_start3A_98 = arith.constant 0 : i32
    %dma_start3A_99 = arith.constant 0 : i32
    %dma_start3A_100 = tpu.memref_slice %arg2[%dma_start3A_98, %dma_start3A_99] : memref<10240x40xf32, #tpu.memory_space<hbm>> -> memref<10240x40xf32, #tpu.memory_space<hbm>>
    %dma_start3A_101 = tpu.memref_slice %arg9[%dma_start3A_90] : memref<2x!tpu.dma_semaphore, #tpu.memory_space<semaphore_mem>> -> memref<1x!tpu.dma_semaphore, #tpu.memory_space<semaphore_mem>>
    %dma_start3A_102 = tpu.memref_squeeze %dma_start3A_101 : memref<1x!tpu.dma_semaphore, #tpu.memory_space<semaphore_mem>> -> memref<!tpu.dma_semaphore, #tpu.memory_space<semaphore_mem>>
    tpu.enqueue_indirect_dma source(%dma_start3A_100 : memref<10240x40xf32, #tpu.memory_space<hbm>>) target(%dma_start3A_94 : memref<128x40xf32, #tpu.memory_space<vmem>>) offsets(%dma_start3A_97 : memref<128xi32, #tpu.memory_space<vmem>>) semaphore(%dma_start3A_102 : memref<!tpu.dma_semaphore, #tpu.memory_space<semaphore_mem>>)
    %scan3A = arith.constant 0 : i32
    %scan3A_103 = arith.constant 0 : i32
    %scan3A_104 = arith.constant 79 : i32
    %scan3A_105 = arith.addi %scan3A_103, %scan3A_104 : i32
    %scan3A_106 = arith.constant 1 : i32
    scf.for %scan3A_113 = %scan3A_103 to %scan3A_105 step %scan3A_106  : i32 {
      %rem3A = arith.constant 2 : i32
      %rem3A_114 = arith.remsi %scan3A_113, %rem3A : i32
      %rem3A_115 = arith.constant 4 : i32
      %rem3A_116 = arith.remsi %scan3A_113, %rem3A_115 : i32
      %dma_wait3A_117 = arith.constant 0 : i32
      %dma_wait3A_118 = arith.constant 0 : i32
      %dma_wait3A_119 = arith.constant 0 : i32
      %dma_wait3A_120 = tpu.memref_slice %arg6[%rem3A_114, %dma_wait3A_118, %dma_wait3A_119] : memref<2x128x40xf32, #tpu.memory_space<vmem>> -> memref<1x128x40xf32, #tpu.memory_space<vmem>>
      %dma_wait3A_121 = tpu.memref_squeeze %dma_wait3A_120 : memref<1x128x40xf32, #tpu.memory_space<vmem>> -> memref<128x40xf32, #tpu.memory_space<vmem>>
      %dma_wait3A_122 = arith.constant 0 : i32
      %dma_wait3A_123 = tpu.memref_slice %arg5[%rem3A_116, %dma_wait3A_117, %dma_wait3A_122] : memref<4x2x128xi32, #tpu.memory_space<vmem>> -> memref<1x1x128xi32, #tpu.memory_space<vmem>>
      %dma_wait3A_124 = tpu.memref_squeeze %dma_wait3A_123 : memref<1x1x128xi32, #tpu.memory_space<vmem>> -> memref<128xi32, #tpu.memory_space<vmem>>
      %dma_wait3A_125 = arith.constant 0 : i32
      %dma_wait3A_126 = arith.constant 0 : i32
      %dma_wait3A_127 = tpu.memref_slice %arg2[%dma_wait3A_125, %dma_wait3A_126] : memref<10240x40xf32, #tpu.memory_space<hbm>> -> memref<10240x40xf32, #tpu.memory_space<hbm>>
      %dma_wait3A_128 = tpu.memref_slice %arg9[%rem3A_114] : memref<2x!tpu.dma_semaphore, #tpu.memory_space<semaphore_mem>> -> memref<1x!tpu.dma_semaphore, #tpu.memory_space<semaphore_mem>>
      %dma_wait3A_129 = tpu.memref_squeeze %dma_wait3A_128 : memref<1x!tpu.dma_semaphore, #tpu.memory_space<semaphore_mem>> -> memref<!tpu.dma_semaphore, #tpu.memory_space<semaphore_mem>>
      tpu.wait_indirect_dma semaphore(%dma_wait3A_129 : memref<!tpu.dma_semaphore, #tpu.memory_space<semaphore_mem>>) src(%dma_wait3A_127 : memref<10240x40xf32, #tpu.memory_space<hbm>>) dst(%dma_wait3A_121 : memref<128x40xf32, #tpu.memory_space<vmem>>)
      %add3A_130 = arith.constant 4 : i32
      %add3A_131 = arith.addi %scan3A_113, %add3A_130 : i32
      %sub3A = arith.constant 1 : i32
      %sub3A_132 = arith.subi %add3A_131, %sub3A : i32
      %lt3A = arith.constant 79 : i32
      %lt3A_133 = arith.cmpi slt, %sub3A_132, %lt3A : i32
      %convert_element_type3A = arith.extui %lt3A_133 : i1 to i32
      %cond3A = arith.constant 0 : i32
      %cond3A_134 = arith.cmpi ne, %convert_element_type3A, %cond3A : i32
      scf.if %cond3A_134 {
        %rem3A_142 = arith.constant 4 : i32
        %rem3A_143 = arith.remsi %sub3A_132, %rem3A_142 : i32
        %dma_start3A_144 = arith.constant 0 : i32
        %dma_start3A_145 = arith.constant 0 : i32
        %dma_start3A_146 = tpu.memref_slice %arg5[%rem3A_143, %dma_start3A_144, %dma_start3A_145] : memref<4x2x128xi32, #tpu.memory_space<vmem>> -> memref<1x2x128xi32, #tpu.memory_space<vmem>>
        %dma_start3A_147 = tpu.memref_squeeze %dma_start3A_146 : memref<1x2x128xi32, #tpu.memory_space<vmem>> -> memref<2x128xi32, #tpu.memory_space<vmem>>
        %dma_start3A_148 = arith.constant 0 : i32
        %dma_start3A_149 = arith.constant 0 : i32
        %dma_start3A_150 = tpu.memref_slice %arg3[%add3A, %sub3A_132, %dma_start3A_148, %dma_start3A_149] : memref<32x79x2x128xi32, #tpu.memory_space<hbm>> -> memref<1x1x2x128xi32, #tpu.memory_space<hbm>>
        %dma_start3A_151 = tpu.memref_squeeze %dma_start3A_150 : memref<1x1x2x128xi32, #tpu.memory_space<hbm>> -> memref<2x128xi32, #tpu.memory_space<hbm>>
        %dma_start3A_152 = tpu.memref_slice %arg8[%rem3A_143] : memref<4x!tpu.dma_semaphore, #tpu.memory_space<semaphore_mem>> -> memref<1x!tpu.dma_semaphore, #tpu.memory_space<semaphore_mem>>
        %dma_start3A_153 = tpu.memref_squeeze %dma_start3A_152 : memref<1x!tpu.dma_semaphore, #tpu.memory_space<semaphore_mem>> -> memref<!tpu.dma_semaphore, #tpu.memory_space<semaphore_mem>>
        %dma_start3A_154 = arith.constant 0 : i32
        %dma_start3A_155 = arith.constant 0 : i32
        %dma_start3A_156 = tpu.memref_slice %arg5[%rem3A_143, %dma_start3A_154, %dma_start3A_155] : memref<4x2x128xi32, #tpu.memory_space<vmem>> -> memref<1x2x128xi32, #tpu.memory_space<vmem>>
        %dma_start3A_157 = tpu.memref_squeeze %dma_start3A_156 : memref<1x2x128xi32, #tpu.memory_space<vmem>> -> memref<2x128xi32, #tpu.memory_space<vmem>>
        %dma_start3A_158 = arith.constant 0 : i32
        %dma_start3A_159 = arith.constant 0 : i32
        %dma_start3A_160 = tpu.memref_slice %arg3[%add3A, %sub3A_132, %dma_start3A_158, %dma_start3A_159] : memref<32x79x2x128xi32, #tpu.memory_space<hbm>> -> memref<1x1x2x128xi32, #tpu.memory_space<hbm>>
        %dma_start3A_161 = tpu.memref_squeeze %dma_start3A_160 : memref<1x1x2x128xi32, #tpu.memory_space<hbm>> -> memref<2x128xi32, #tpu.memory_space<hbm>>
        tpu.enqueue_dma source(%dma_start3A_161 : memref<2x128xi32, #tpu.memory_space<hbm>>) target(%dma_start3A_157 : memref<2x128xi32, #tpu.memory_space<vmem>>) target_semaphore(%dma_start3A_153 : memref<!tpu.dma_semaphore, #tpu.memory_space<semaphore_mem>>)
      } else {
      }
      %add3A_135 = arith.constant 1 : i32
      %add3A_136 = arith.addi %scan3A_113, %add3A_135 : i32
      %lt3A_137 = arith.constant 79 : i32
      %lt3A_138 = arith.cmpi slt, %add3A_136, %lt3A_137 : i32
      %convert_element_type3A_139 = arith.extui %lt3A_138 : i1 to i32
      %cond3A_140 = arith.constant 0 : i32
      %cond3A_141 = arith.cmpi ne, %convert_element_type3A_139, %cond3A_140 : i32
      scf.if %cond3A_141 {
        %rem3A_142 = arith.constant 4 : i32
        %rem3A_143 = arith.remsi %add3A_136, %rem3A_142 : i32
        %rem3A_144 = arith.constant 2 : i32
        %rem3A_145 = arith.remsi %add3A_136, %rem3A_144 : i32
        %dma_wait3A_146 = arith.constant 0 : i32
        %dma_wait3A_147 = arith.constant 0 : i32
        %dma_wait3A_148 = tpu.memref_slice %arg5[%rem3A_143, %dma_wait3A_146, %dma_wait3A_147] : memref<4x2x128xi32, #tpu.memory_space<vmem>> -> memref<1x2x128xi32, #tpu.memory_space<vmem>>
        %dma_wait3A_149 = tpu.memref_squeeze %dma_wait3A_148 : memref<1x2x128xi32, #tpu.memory_space<vmem>> -> memref<2x128xi32, #tpu.memory_space<vmem>>
        %dma_wait3A_150 = arith.constant 0 : i32
        %dma_wait3A_151 = arith.constant 0 : i32
        %dma_wait3A_152 = tpu.memref_slice %arg3[%add3A, %add3A_136, %dma_wait3A_150, %dma_wait3A_151] : memref<32x79x2x128xi32, #tpu.memory_space<hbm>> -> memref<1x1x2x128xi32, #tpu.memory_space<hbm>>
        %dma_wait3A_153 = tpu.memref_squeeze %dma_wait3A_152 : memref<1x1x2x128xi32, #tpu.memory_space<hbm>> -> memref<2x128xi32, #tpu.memory_space<hbm>>
        %dma_wait3A_154 = tpu.memref_slice %arg8[%rem3A_143] : memref<4x!tpu.dma_semaphore, #tpu.memory_space<semaphore_mem>> -> memref<1x!tpu.dma_semaphore, #tpu.memory_space<semaphore_mem>>
        %dma_wait3A_155 = tpu.memref_squeeze %dma_wait3A_154 : memref<1x!tpu.dma_semaphore, #tpu.memory_space<semaphore_mem>> -> memref<!tpu.dma_semaphore, #tpu.memory_space<semaphore_mem>>
        %dma_wait3A_156 = arith.constant 0 : i32
        %dma_wait3A_157 = arith.constant 0 : i32
        %dma_wait3A_158 = tpu.memref_slice %arg5[%rem3A_143, %dma_wait3A_156, %dma_wait3A_157] : memref<4x2x128xi32, #tpu.memory_space<vmem>> -> memref<1x2x128xi32, #tpu.memory_space<vmem>>
        %dma_wait3A_159 = tpu.memref_squeeze %dma_wait3A_158 : memref<1x2x128xi32, #tpu.memory_space<vmem>> -> memref<2x128xi32, #tpu.memory_space<vmem>>
        %dma_wait3A_160 = arith.constant 0 : i32
        %dma_wait3A_161 = arith.constant 0 : i32
        %dma_wait3A_162 = tpu.memref_slice %arg3[%add3A, %add3A_136, %dma_wait3A_160, %dma_wait3A_161] : memref<32x79x2x128xi32, #tpu.memory_space<hbm>> -> memref<1x1x2x128xi32, #tpu.memory_space<hbm>>
        %dma_wait3A_163 = tpu.memref_squeeze %dma_wait3A_162 : memref<1x1x2x128xi32, #tpu.memory_space<hbm>> -> memref<2x128xi32, #tpu.memory_space<hbm>>
        tpu.wait_dma2 semaphore(%dma_wait3A_155 : memref<!tpu.dma_semaphore, #tpu.memory_space<semaphore_mem>>) src(%dma_wait3A_163 : memref<2x128xi32, #tpu.memory_space<hbm>>) dst(%dma_wait3A_159 : memref<2x128xi32, #tpu.memory_space<vmem>>)
        %dma_start3A_164 = arith.constant 0 : i32
        %dma_start3A_165 = arith.constant 0 : i32
        %dma_start3A_166 = arith.constant 0 : i32
        %dma_start3A_167 = tpu.memref_slice %arg6[%rem3A_145, %dma_start3A_165, %dma_start3A_166] : memref<2x128x40xf32, #tpu.memory_space<vmem>> -> memref<1x128x40xf32, #tpu.memory_space<vmem>>
        %dma_start3A_168 = tpu.memref_squeeze %dma_start3A_167 : memref<1x128x40xf32, #tpu.memory_space<vmem>> -> memref<128x40xf32, #tpu.memory_space<vmem>>
        %dma_start3A_169 = arith.constant 0 : i32
        %dma_start3A_170 = tpu.memref_slice %arg5[%rem3A_143, %dma_start3A_164, %dma_start3A_169] : memref<4x2x128xi32, #tpu.memory_space<vmem>> -> memref<1x1x128xi32, #tpu.memory_space<vmem>>
        %dma_start3A_171 = tpu.memref_squeeze %dma_start3A_170 : memref<1x1x128xi32, #tpu.memory_space<vmem>> -> memref<128xi32, #tpu.memory_space<vmem>>
        %dma_start3A_172 = arith.constant 0 : i32
        %dma_start3A_173 = arith.constant 0 : i32
        %dma_start3A_174 = tpu.memref_slice %arg2[%dma_start3A_172, %dma_start3A_173] : memref<10240x40xf32, #tpu.memory_space<hbm>> -> memref<10240x40xf32, #tpu.memory_space<hbm>>
        %dma_start3A_175 = tpu.memref_slice %arg9[%rem3A_145] : memref<2x!tpu.dma_semaphore, #tpu.memory_space<semaphore_mem>> -> memref<1x!tpu.dma_semaphore, #tpu.memory_space<semaphore_mem>>
        %dma_start3A_176 = tpu.memref_squeeze %dma_start3A_175 : memref<1x!tpu.dma_semaphore, #tpu.memory_space<semaphore_mem>> -> memref<!tpu.dma_semaphore, #tpu.memory_space<semaphore_mem>>
        tpu.enqueue_indirect_dma source(%dma_start3A_174 : memref<10240x40xf32, #tpu.memory_space<hbm>>) target(%dma_start3A_168 : memref<128x40xf32, #tpu.memory_space<vmem>>) offsets(%dma_start3A_171 : memref<128xi32, #tpu.memory_space<vmem>>) semaphore(%dma_start3A_176 : memref<!tpu.dma_semaphore, #tpu.memory_space<semaphore_mem>>)
      } else {
      }
      %run_scoped3A = arith.constant 1 : i32
      "tpu.region"() ({
        %run_scoped3A_142 = tpu.sem_alloc : memref<!tpu.dma_semaphore, #tpu.memory_space<semaphore_mem>>
        %dma_start3A_143 = arith.constant 0 : i32
        %dma_start3A_144 = arith.constant 0 : i32
        %dma_start3A_145 = tpu.memref_slice %arg6[%rem3A_114, %dma_start3A_143, %dma_start3A_144] : memref<2x128x40xf32, #tpu.memory_space<vmem>> -> memref<1x128x40xf32, #tpu.memory_space<vmem>>
        %dma_start3A_146 = tpu.memref_squeeze %dma_start3A_145 : memref<1x128x40xf32, #tpu.memory_space<vmem>> -> memref<128x40xf32, #tpu.memory_space<vmem>>
        %dma_start3A_147 = arith.constant 0 : i32
        %dma_start3A_148 = tpu.memref_slice %arg5[%rem3A_116, %run_scoped3A, %dma_start3A_147] : memref<4x2x128xi32, #tpu.memory_space<vmem>> -> memref<1x1x128xi32, #tpu.memory_space<vmem>>
        %dma_start3A_149 = tpu.memref_squeeze %dma_start3A_148 : memref<1x1x128xi32, #tpu.memory_space<vmem>> -> memref<128xi32, #tpu.memory_space<vmem>>
        %dma_start3A_150 = arith.constant 0 : i32
        %dma_start3A_151 = arith.constant 0 : i32
        %dma_start3A_152 = tpu.memref_slice %arg7[%dma_start3A_150, %dma_start3A_151] : memref<10240x40xf32, #tpu.memory_space<vmem_shared>> -> memref<10240x40xf32, #tpu.memory_space<vmem_shared>>
        tpu.enqueue_indirect_dma source(%dma_start3A_146 : memref<128x40xf32, #tpu.memory_space<vmem>>) target(%dma_start3A_152 : memref<10240x40xf32, #tpu.memory_space<vmem_shared>>) offsets(%dma_start3A_149 : memref<128xi32, #tpu.memory_space<vmem>>) semaphore(%run_scoped3A_142 : memref<!tpu.dma_semaphore, #tpu.memory_space<semaphore_mem>>) {add = true}
        %dma_wait3A_153 = arith.constant 0 : i32
        %dma_wait3A_154 = arith.constant 0 : i32
        %dma_wait3A_155 = tpu.memref_slice %arg6[%rem3A_114, %dma_wait3A_153, %dma_wait3A_154] : memref<2x128x40xf32, #tpu.memory_space<vmem>> -> memref<1x128x40xf32, #tpu.memory_space<vmem>>
        %dma_wait3A_156 = tpu.memref_squeeze %dma_wait3A_155 : memref<1x128x40xf32, #tpu.memory_space<vmem>> -> memref<128x40xf32, #tpu.memory_space<vmem>>
        %dma_wait3A_157 = arith.constant 0 : i32
        %dma_wait3A_158 = tpu.memref_slice %arg5[%rem3A_116, %run_scoped3A, %dma_wait3A_157] : memref<4x2x128xi32, #tpu.memory_space<vmem>> -> memref<1x1x128xi32, #tpu.memory_space<vmem>>
        %dma_wait3A_159 = tpu.memref_squeeze %dma_wait3A_158 : memref<1x1x128xi32, #tpu.memory_space<vmem>> -> memref<128xi32, #tpu.memory_space<vmem>>
        %dma_wait3A_160 = arith.constant 0 : i32
        %dma_wait3A_161 = arith.constant 0 : i32
        %dma_wait3A_162 = tpu.memref_slice %arg7[%dma_wait3A_160, %dma_wait3A_161] : memref<10240x40xf32, #tpu.memory_space<vmem_shared>> -> memref<10240x40xf32, #tpu.memory_space<vmem_shared>>
        tpu.wait_indirect_dma semaphore(%run_scoped3A_142 : memref<!tpu.dma_semaphore, #tpu.memory_space<semaphore_mem>>) src(%dma_wait3A_156 : memref<128x40xf32, #tpu.memory_space<vmem>>) dst(%dma_wait3A_162 : memref<10240x40xf32, #tpu.memory_space<vmem_shared>>)
        tpu.yield
      }) : () -> ()
    }
    %scan3A_107 = arith.constant 79 : i32
    %barrier3A_108 = arith.constant 0 : index
    tpu.barrier barrier_id(%barrier3A_108)
    %mul3A_109 = arith.constant 640 : i32
    %mul3A_110 = arith.muli %arg1, %mul3A_109 : i32
    %mul3A_111 = arith.constant 640 : i32
    %mul3A_112 = arith.muli %arg1, %mul3A_111 : i32
    "tpu.region"() ({
      %run_scoped3A = tpu.sem_alloc : memref<!tpu.dma_semaphore, #tpu.memory_space<semaphore_mem>>
      %dma_start3A_113 = arith.constant 0 : i32
      %dma_start3A_114 = tpu.memref_slice %arg4[%arg0, %mul3A_112, %dma_start3A_113] : memref<2x10240x40xf32, #tpu.memory_space<hbm>> -> memref<1x640x40xf32, #tpu.memory_space<hbm>>
      %dma_start3A_115 = tpu.memref_squeeze %dma_start3A_114 : memref<1x640x40xf32, #tpu.memory_space<hbm>> -> memref<640x40xf32, #tpu.memory_space<hbm>>
      %dma_start3A_116 = arith.constant 0 : i32
      %dma_start3A_117 = tpu.memref_slice %arg7[%mul3A_110, %dma_start3A_116] : memref<10240x40xf32, #tpu.memory_space<vmem_shared>> -> memref<640x40xf32, #tpu.memory_space<vmem_shared>>
      tpu.enqueue_dma source(%dma_start3A_117 : memref<640x40xf32, #tpu.memory_space<vmem_shared>>) target(%dma_start3A_115 : memref<640x40xf32, #tpu.memory_space<hbm>>) target_semaphore(%run_scoped3A : memref<!tpu.dma_semaphore, #tpu.memory_space<semaphore_mem>>)
      %dma_wait3A_118 = arith.constant 0 : i32
      %dma_wait3A_119 = tpu.memref_slice %arg4[%arg0, %mul3A_112, %dma_wait3A_118] : memref<2x10240x40xf32, #tpu.memory_space<hbm>> -> memref<1x640x40xf32, #tpu.memory_space<hbm>>
      %dma_wait3A_120 = tpu.memref_squeeze %dma_wait3A_119 : memref<1x640x40xf32, #tpu.memory_space<hbm>> -> memref<640x40xf32, #tpu.memory_space<hbm>>
      %dma_wait3A_121 = arith.constant 0 : i32
      %dma_wait3A_122 = tpu.memref_slice %arg7[%mul3A_110, %dma_wait3A_121] : memref<10240x40xf32, #tpu.memory_space<vmem_shared>> -> memref<640x40xf32, #tpu.memory_space<vmem_shared>>
      tpu.wait_dma2 semaphore(%run_scoped3A : memref<!tpu.dma_semaphore, #tpu.memory_space<semaphore_mem>>) src(%dma_wait3A_122 : memref<640x40xf32, #tpu.memory_space<vmem_shared>>) dst(%dma_wait3A_120 : memref<640x40xf32, #tpu.memory_space<hbm>>)
      tpu.yield
    }) : () -> ()
    return
  }
}

#map = affine_map<(d0, d1) -> (0, 0)>
module attributes {stable_mosaic.version = 14 : i64} {
  func.func @_deg_body(%arg0: i32, %arg1: i32, %arg2: memref<32x10112xi32, #tpu.memory_space<hbm>>, %arg3: memref<32x10240xf32, #tpu.memory_space<hbm>>, %arg4: memref<10112xi32, #tpu.memory_space<vmem>>, %arg5: memref<10240xf32, #tpu.memory_space<vmem>>) attributes {dimension_semantics = [#tpu.dimension_semantics<core_parallel>, #tpu.dimension_semantics<subcore_parallel>], iteration_bounds = array<i64: 2, 16>, scalar_prefetch = 0 : i64, scratch_operands = 2 : i64, tpu.core_type = #tpu.core_type<sc_vector_subcore>, window_params = [{transform_indices = #map}, {transform_indices = #map}]} {
    %mul3A = arith.constant 16 : i32
    %mul3A_0 = arith.muli %arg0, %mul3A : i32
    %add3A = arith.addi %mul3A_0, %arg1 : i32
    "tpu.region"() ({
      %run_scoped3A = tpu.sem_alloc : memref<!tpu.dma_semaphore, #tpu.memory_space<semaphore_mem>>
      %dma_start3A = arith.constant 0 : i32
      %dma_start3A_15 = tpu.memref_slice %arg2[%add3A, %dma_start3A] : memref<32x10112xi32, #tpu.memory_space<hbm>> -> memref<1x10112xi32, #tpu.memory_space<hbm>>
      %dma_start3A_16 = tpu.memref_squeeze %dma_start3A_15 : memref<1x10112xi32, #tpu.memory_space<hbm>> -> memref<10112xi32, #tpu.memory_space<hbm>>
      %dma_start3A_17 = arith.constant 0 : i32
      %dma_start3A_18 = tpu.memref_slice %arg2[%add3A, %dma_start3A_17] : memref<32x10112xi32, #tpu.memory_space<hbm>> -> memref<1x10112xi32, #tpu.memory_space<hbm>>
      %dma_start3A_19 = tpu.memref_squeeze %dma_start3A_18 : memref<1x10112xi32, #tpu.memory_space<hbm>> -> memref<10112xi32, #tpu.memory_space<hbm>>
      tpu.enqueue_dma source(%dma_start3A_19 : memref<10112xi32, #tpu.memory_space<hbm>>) target(%arg4 : memref<10112xi32, #tpu.memory_space<vmem>>) target_semaphore(%run_scoped3A : memref<!tpu.dma_semaphore, #tpu.memory_space<semaphore_mem>>)
      %dma_wait3A = arith.constant 0 : i32
      %dma_wait3A_20 = tpu.memref_slice %arg2[%add3A, %dma_wait3A] : memref<32x10112xi32, #tpu.memory_space<hbm>> -> memref<1x10112xi32, #tpu.memory_space<hbm>>
      %dma_wait3A_21 = tpu.memref_squeeze %dma_wait3A_20 : memref<1x10112xi32, #tpu.memory_space<hbm>> -> memref<10112xi32, #tpu.memory_space<hbm>>
      %dma_wait3A_22 = arith.constant 0 : i32
      %dma_wait3A_23 = tpu.memref_slice %arg2[%add3A, %dma_wait3A_22] : memref<32x10112xi32, #tpu.memory_space<hbm>> -> memref<1x10112xi32, #tpu.memory_space<hbm>>
      %dma_wait3A_24 = tpu.memref_squeeze %dma_wait3A_23 : memref<1x10112xi32, #tpu.memory_space<hbm>> -> memref<10112xi32, #tpu.memory_space<hbm>>
      tpu.wait_dma2 semaphore(%run_scoped3A : memref<!tpu.dma_semaphore, #tpu.memory_space<semaphore_mem>>) src(%dma_wait3A_24 : memref<10112xi32, #tpu.memory_space<hbm>>) dst(%arg4 : memref<10112xi32, #tpu.memory_space<vmem>>)
      tpu.yield
    }) : () -> ()
    %broadcast_in_dim3A = arith.constant 0.000000e+00 : f32
    %broadcast_in_dim3A_1 = vector.broadcast %broadcast_in_dim3A : f32 to vector<16xf32>
    %broadcast_in_dim3A_2 = arith.constant 1.000000e+00 : f32
    %broadcast_in_dim3A_3 = vector.broadcast %broadcast_in_dim3A_2 : f32 to vector<16xf32>
    %scan3A = arith.constant 0 : i32
    %scan3A_4 = arith.constant 0 : i32
    %scan3A_5 = arith.constant 640 : i32
    %scan3A_6 = arith.addi %scan3A_4, %scan3A_5 : i32
    %scan3A_7 = arith.constant 1 : i32
    scf.for %scan3A_15 = %scan3A_4 to %scan3A_6 step %scan3A_7  : i32 {
      %mul3A_16 = arith.constant 16 : i32
      %mul3A_17 = arith.muli %scan3A_15, %mul3A_16 : i32
      %swap3A = arith.index_cast %mul3A_17 : i32 to index
      %swap3A_18 = tpu.vector_load %arg5[%swap3A] {strides = array<i32>} : memref<10240xf32, #tpu.memory_space<vmem>>, vector<16xf32>,
      tpu.vector_store %arg5[%swap3A], %broadcast_in_dim3A_1 {strides = array<i32>} : memref<10240xf32, #tpu.memory_space<vmem>>, vector<16xf32>,
    }
    %scan3A_8 = arith.constant 640 : i32
    %scan3A_9 = arith.constant 0 : i32
    %scan3A_10 = arith.constant 0 : i32
    %scan3A_11 = arith.constant 632 : i32
    %scan3A_12 = arith.addi %scan3A_10, %scan3A_11 : i32
    %scan3A_13 = arith.constant 1 : i32
    scf.for %scan3A_15 = %scan3A_10 to %scan3A_12 step %scan3A_13  : i32 {
      %mul3A_16 = arith.constant 16 : i32
      %mul3A_17 = arith.muli %scan3A_15, %mul3A_16 : i32
      %get3A = arith.index_cast %mul3A_17 : i32 to index
      %get3A_18 = tpu.vector_load %arg4[%get3A] {strides = array<i32>} : memref<10112xi32, #tpu.memory_space<vmem>>, vector<16xi32>,
      tpu.vector_store_idx %arg5[%get3A_18], %broadcast_in_dim3A_3 {add = true} : memref<10240xf32, #tpu.memory_space<vmem>>[vector<16xi32>], vector<16xf32>,
    }
    %scan3A_14 = arith.constant 632 : i32
    "tpu.region"() ({
      %run_scoped3A = tpu.sem_alloc : memref<!tpu.dma_semaphore, #tpu.memory_space<semaphore_mem>>
      %dma_start3A = arith.constant 0 : i32
      %dma_start3A_15 = tpu.memref_slice %arg3[%add3A, %dma_start3A] : memref<32x10240xf32, #tpu.memory_space<hbm>> -> memref<1x10240xf32, #tpu.memory_space<hbm>>
      %dma_start3A_16 = tpu.memref_squeeze %dma_start3A_15 : memref<1x10240xf32, #tpu.memory_space<hbm>> -> memref<10240xf32, #tpu.memory_space<hbm>>
      %dma_start3A_17 = arith.constant 0 : i32
      %dma_start3A_18 = tpu.memref_slice %arg3[%add3A, %dma_start3A_17] : memref<32x10240xf32, #tpu.memory_space<hbm>> -> memref<1x10240xf32, #tpu.memory_space<hbm>>
      %dma_start3A_19 = tpu.memref_squeeze %dma_start3A_18 : memref<1x10240xf32, #tpu.memory_space<hbm>> -> memref<10240xf32, #tpu.memory_space<hbm>>
      tpu.enqueue_dma source(%arg5 : memref<10240xf32, #tpu.memory_space<vmem>>) target(%dma_start3A_19 : memref<10240xf32, #tpu.memory_space<hbm>>) target_semaphore(%run_scoped3A : memref<!tpu.dma_semaphore, #tpu.memory_space<semaphore_mem>>)
      %dma_wait3A = arith.constant 0 : i32
      %dma_wait3A_20 = tpu.memref_slice %arg3[%add3A, %dma_wait3A] : memref<32x10240xf32, #tpu.memory_space<hbm>> -> memref<1x10240xf32, #tpu.memory_space<hbm>>
      %dma_wait3A_21 = tpu.memref_squeeze %dma_wait3A_20 : memref<1x10240xf32, #tpu.memory_space<hbm>> -> memref<10240xf32, #tpu.memory_space<hbm>>
      %dma_wait3A_22 = arith.constant 0 : i32
      %dma_wait3A_23 = tpu.memref_slice %arg3[%add3A, %dma_wait3A_22] : memref<32x10240xf32, #tpu.memory_space<hbm>> -> memref<1x10240xf32, #tpu.memory_space<hbm>>
      %dma_wait3A_24 = tpu.memref_squeeze %dma_wait3A_23 : memref<1x10240xf32, #tpu.memory_space<hbm>> -> memref<10240xf32, #tpu.memory_space<hbm>>
      tpu.wait_dma2 semaphore(%run_scoped3A : memref<!tpu.dma_semaphore, #tpu.memory_space<semaphore_mem>>) src(%arg5 : memref<10240xf32, #tpu.memory_space<vmem>>) dst(%dma_wait3A_24 : memref<10240xf32, #tpu.memory_space<hbm>>)
      tpu.yield
    }) : () -> ()
    return
  }
}

module attributes {stable_mosaic.version = 14 : i64} {
  func.func @_mm1_body(%arg0: i32, %arg1: memref<2048x128xf32, #tpu.memory_space<vmem>>, %arg2: memref<128x128xf32, #tpu.memory_space<vmem>>, %arg3: memref<32x2048xf32, #tpu.memory_space<vmem>>, %arg4: memref<2048x128xf32, #tpu.memory_space<vmem>>) attributes {dimension_semantics = [#tpu.dimension_semantics<arbitrary>], iteration_bounds = array<i64: 5>, scalar_prefetch = 0 : i64, scratch_operands = 0 : i64, tpu.core_type = #tpu.core_type<tc>, window_params = [{transform_indices = @transform_0, window_bounds = array<i64: 2048, 128>}, {pipeline_mode = #tpu.pipeline_mode<synchronous>, transform_indices = @transform_1, window_bounds = array<i64: 128, 128>}, {transform_indices = @transform_2, window_bounds = array<i64: 32, 2048>}, {transform_indices = @transform_3, window_bounds = array<i64: 2048, 128>}]} {
    %get3A = arith.constant 0 : index
    %get3A_0 = arith.constant 0 : index
    %get3A_1 = vector.load %arg3[%get3A, %get3A_0] : memref<32x2048xf32, #tpu.memory_space<vmem>>, vector<32x2048xf32>
    %reduce_sum3A = arith.constant dense<0.000000e+00> : vector<2048xf32>
    %reduce_sum3A_2 = vector.multi_reduction <add>, %get3A_1, %reduce_sum3A [0] : vector<32x2048xf32> to vector<2048xf32>
    %add3A = arith.constant 1.000000e+00 : f32
    %add3A_3 = vector.broadcast %add3A : f32 to vector<2048xf32>
    %add3A_4 = arith.addf %reduce_sum3A_2, %add3A_3 : vector<2048xf32>
    %rsqrt3A = math.rsqrt %add3A_4 : vector<2048xf32>
    %get3A_5 = arith.constant 0 : index
    %get3A_6 = arith.constant 0 : index
    %get3A_7 = vector.load %arg1[%get3A_5, %get3A_6] : memref<2048x128xf32, #tpu.memory_space<vmem>>, vector<2048x128xf32>
    %get3A_8 = arith.constant 0 : index
    %get3A_9 = arith.constant 0 : index
    %get3A_10 = vector.load %arg2[%get3A_8, %get3A_9] : memref<128x128xf32, #tpu.memory_space<vmem>>, vector<128x128xf32>
    %dot_general3A = arith.constant dense<0.000000e+00> : vector<2048x128xf32>
    %dot_general3A_11 = tpu.matmul %get3A_7, %get3A_10, %dot_general3A {dimension_numbers = #tpu.dot_dimension_numbers<[1], [0], [0], [1], [0, 0, 1, 1], [], []>, transpose_lhs_hint = false} : vector<2048x128xf32>, vector<128x128xf32>, vector<2048x128xf32> -> vector<2048x128xf32>
    %broadcast_in_dim3A = vector.shape_cast %rsqrt3A : vector<2048xf32> to vector<2048x1xf32>
    %mul3A = vector.broadcast %broadcast_in_dim3A : vector<2048x1xf32> to vector<2048x128xf32>
    %mul3A_12 = arith.mulf %dot_general3A_11, %mul3A : vector<2048x128xf32>
    %swap3A = arith.constant 0 : index
    %swap3A_13 = arith.constant 0 : index
    %swap3A_14 = vector.load %arg4[%swap3A, %swap3A_13] : memref<2048x128xf32, #tpu.memory_space<vmem>>, vector<2048x128xf32>
    tpu.vector_store %arg4[%swap3A, %swap3A_13], %mul3A_12 {strides = array<i32>} : memref<2048x128xf32, #tpu.memory_space<vmem>>, vector<2048x128xf32>,
    return
  }
  func.func @transform_0(%arg0: i32) -> (i32, i32) {
    %c0_i32 = arith.constant 0 : i32
    %c0_i32_0 = arith.constant 0 : i32
    return %arg0, %c0_i32 : i32, i32
  }
  func.func @transform_1(%arg0: i32) -> (i32, i32) {
    %c0_i32 = arith.constant 0 : i32
    %c0_i32_0 = arith.constant 0 : i32
    %c0_i32_1 = arith.constant 0 : i32
    return %c0_i32, %c0_i32_0 : i32, i32
  }
  func.func @transform_2(%arg0: i32) -> (i32, i32) {
    %c0_i32 = arith.constant 0 : i32
    %c0_i32_0 = arith.constant 0 : i32
    return %c0_i32, %arg0 : i32, i32
  }
  func.func @transform_3(%arg0: i32) -> (i32, i32) {
    %c0_i32 = arith.constant 0 : i32
    %c0_i32_0 = arith.constant 0 : i32
    return %arg0, %c0_i32 : i32, i32
  }
}

module attributes {stable_mosaic.version = 14 : i64} {
  func.func @_mm2_body(%arg0: i32, %arg1: memref<2x2048x128xf32, #tpu.memory_space<vmem>>, %arg2: memref<2048x128xf32, #tpu.memory_space<vmem>>, %arg3: memref<32x2048xf32, #tpu.memory_space<vmem>>, %arg4: memref<1x128xf32, #tpu.memory_space<vmem>>, %arg5: memref<128x40xf32, #tpu.memory_space<vmem>>, %arg6: memref<2048x40xf32, #tpu.memory_space<vmem>>) attributes {dimension_semantics = [#tpu.dimension_semantics<arbitrary>], iteration_bounds = array<i64: 5>, scalar_prefetch = 0 : i64, scratch_operands = 0 : i64, tpu.core_type = #tpu.core_type<tc>, window_params = [{transform_indices = @transform_0, window_bounds = array<i64: 2, 2048, 128>}, {transform_indices = @transform_1, window_bounds = array<i64: 2048, 128>}, {transform_indices = @transform_2, window_bounds = array<i64: 32, 2048>}, {pipeline_mode = #tpu.pipeline_mode<synchronous>, transform_indices = @transform_3, window_bounds = array<i64: 1, 128>}, {pipeline_mode = #tpu.pipeline_mode<synchronous>, transform_indices = @transform_4, window_bounds = array<i64: 128, 40>}, {transform_indices = @transform_5, window_bounds = array<i64: 2048, 40>}]} {
    %get3A = arith.constant 0 : index
    %get3A_0 = arith.constant 0 : index
    %get3A_1 = vector.load %arg3[%get3A, %get3A_0] : memref<32x2048xf32, #tpu.memory_space<vmem>>, vector<32x2048xf32>
    %reduce_sum3A = arith.constant dense<0.000000e+00> : vector<2048xf32>
    %reduce_sum3A_2 = vector.multi_reduction <add>, %get3A_1, %reduce_sum3A [0] : vector<32x2048xf32> to vector<2048xf32>
    %add3A = arith.constant 1.000000e+00 : f32
    %add3A_3 = vector.broadcast %add3A : f32 to vector<2048xf32>
    %add3A_4 = arith.addf %reduce_sum3A_2, %add3A_3 : vector<2048xf32>
    %rsqrt3A = math.rsqrt %add3A_4 : vector<2048xf32>
    %get3A_5 = arith.constant 0 : index
    %get3A_6 = arith.constant 0 : index
    %get3A_7 = arith.constant 0 : index
    %get3A_8 = vector.load %arg1[%get3A_5, %get3A_6, %get3A_7] : memref<2x2048x128xf32, #tpu.memory_space<vmem>>, vector<1x2048x128xf32>
    %get3A_9 = vector.shape_cast %get3A_8 : vector<1x2048x128xf32> to vector<2048x128xf32>
    %get3A_10 = arith.constant 1 : index
    %get3A_11 = arith.constant 0 : index
    %get3A_12 = arith.constant 0 : index
    %get3A_13 = vector.load %arg1[%get3A_10, %get3A_11, %get3A_12] : memref<2x2048x128xf32, #tpu.memory_space<vmem>>, vector<1x2048x128xf32>
    %get3A_14 = vector.shape_cast %get3A_13 : vector<1x2048x128xf32> to vector<2048x128xf32>
    %add3A_15 = arith.addf %get3A_9, %get3A_14 : vector<2048x128xf32>
    %get3A_16 = arith.constant 0 : index
    %get3A_17 = arith.constant 0 : index
    %get3A_18 = vector.load %arg2[%get3A_16, %get3A_17] : memref<2048x128xf32, #tpu.memory_space<vmem>>, vector<2048x128xf32>
    %sub3A = arith.subf %add3A_15, %get3A_18 : vector<2048x128xf32>
    %broadcast_in_dim3A = vector.shape_cast %rsqrt3A : vector<2048xf32> to vector<2048x1xf32>
    %mul3A = vector.broadcast %broadcast_in_dim3A : vector<2048x1xf32> to vector<2048x128xf32>
    %mul3A_19 = arith.mulf %sub3A, %mul3A : vector<2048x128xf32>
    %get3A_20 = arith.constant 0 : index
    %get3A_21 = arith.constant 0 : index
    %get3A_22 = vector.load %arg4[%get3A_20, %get3A_21] : memref<1x128xf32, #tpu.memory_space<vmem>>, vector<1x128xf32>
    %add3A_23 = vector.broadcast %get3A_22 : vector<1x128xf32> to vector<2048x128xf32>
    %add3A_24 = arith.addf %mul3A_19, %add3A_23 : vector<2048x128xf32>
    %max3A = arith.constant 0.000000e+00 : f32
    %max3A_25 = vector.broadcast %max3A : f32 to vector<2048x128xf32>
    %max3A_26 = arith.maximumf %add3A_24, %max3A_25 : vector<2048x128xf32>
    %get3A_27 = arith.constant 0 : index
    %get3A_28 = arith.constant 0 : index
    %get3A_29 = vector.load %arg5[%get3A_27, %get3A_28] : memref<128x40xf32, #tpu.memory_space<vmem>>, vector<128x40xf32>
    %dot_general3A = arith.constant dense<0.000000e+00> : vector<2048x40xf32>
    %dot_general3A_30 = tpu.matmul %max3A_26, %get3A_29, %dot_general3A {dimension_numbers = #tpu.dot_dimension_numbers<[1], [0], [0], [1], [0, 0, 1, 1], [], []>, transpose_lhs_hint = false} : vector<2048x128xf32>, vector<128x40xf32>, vector<2048x40xf32> -> vector<2048x40xf32>
    %broadcast_in_dim3A_31 = vector.shape_cast %rsqrt3A : vector<2048xf32> to vector<2048x1xf32>
    %mul3A_32 = vector.broadcast %broadcast_in_dim3A_31 : vector<2048x1xf32> to vector<2048x40xf32>
    %mul3A_33 = arith.mulf %dot_general3A_30, %mul3A_32 : vector<2048x40xf32>
    %swap3A = arith.constant 0 : index
    %swap3A_34 = arith.constant 0 : index
    %swap3A_35 = vector.load %arg6[%swap3A, %swap3A_34] : memref<2048x40xf32, #tpu.memory_space<vmem>>, vector<2048x40xf32>
    tpu.vector_store %arg6[%swap3A, %swap3A_34], %mul3A_33 {strides = array<i32>} : memref<2048x40xf32, #tpu.memory_space<vmem>>, vector<2048x40xf32>,
    return
  }
  func.func @transform_0(%arg0: i32) -> (i32, i32, i32) {
    %c0_i32 = arith.constant 0 : i32
    %c0_i32_0 = arith.constant 0 : i32
    %c0_i32_1 = arith.constant 0 : i32
    return %c0_i32, %arg0, %c0_i32_0 : i32, i32, i32
  }
  func.func @transform_1(%arg0: i32) -> (i32, i32) {
    %c0_i32 = arith.constant 0 : i32
    %c0_i32_0 = arith.constant 0 : i32
    return %arg0, %c0_i32 : i32, i32
  }
  func.func @transform_2(%arg0: i32) -> (i32, i32) {
    %c0_i32 = arith.constant 0 : i32
    %c0_i32_0 = arith.constant 0 : i32
    return %c0_i32, %arg0 : i32, i32
  }
  func.func @transform_3(%arg0: i32) -> (i32, i32) {
    %c0_i32 = arith.constant 0 : i32
    %c0_i32_0 = arith.constant 0 : i32
    %c0_i32_1 = arith.constant 0 : i32
    return %c0_i32, %c0_i32_0 : i32, i32
  }
  func.func @transform_4(%arg0: i32) -> (i32, i32) {
    %c0_i32 = arith.constant 0 : i32
    %c0_i32_0 = arith.constant 0 : i32
    %c0_i32_1 = arith.constant 0 : i32
    return %c0_i32, %c0_i32_0 : i32, i32
  }
  func.func @transform_5(%arg0: i32) -> (i32, i32) {
    %c0_i32 = arith.constant 0 : i32
    %c0_i32_0 = arith.constant 0 : i32
    return %arg0, %c0_i32 : i32, i32
  }
}

module attributes {stable_mosaic.version = 14 : i64} {
  func.func @_fin_body(%arg0: i32, %arg1: memref<2x2048x40xf32, #tpu.memory_space<vmem>>, %arg2: memref<2048x40xf32, #tpu.memory_space<vmem>>, %arg3: memref<32x2048xf32, #tpu.memory_space<vmem>>, %arg4: memref<1x40xf32, #tpu.memory_space<vmem>>, %arg5: memref<2048x40xf32, #tpu.memory_space<vmem>>) attributes {dimension_semantics = [#tpu.dimension_semantics<arbitrary>], iteration_bounds = array<i64: 5>, scalar_prefetch = 0 : i64, scratch_operands = 0 : i64, tpu.core_type = #tpu.core_type<tc>, window_params = [{transform_indices = @transform_0, window_bounds = array<i64: 2, 2048, 40>}, {transform_indices = @transform_1, window_bounds = array<i64: 2048, 40>}, {transform_indices = @transform_2, window_bounds = array<i64: 32, 2048>}, {pipeline_mode = #tpu.pipeline_mode<synchronous>, transform_indices = @transform_3, window_bounds = array<i64: 1, 40>}, {transform_indices = @transform_4, window_bounds = array<i64: 2048, 40>}]} {
    %get3A = arith.constant 0 : index
    %get3A_0 = arith.constant 0 : index
    %get3A_1 = vector.load %arg3[%get3A, %get3A_0] : memref<32x2048xf32, #tpu.memory_space<vmem>>, vector<32x2048xf32>
    %reduce_sum3A = arith.constant dense<0.000000e+00> : vector<2048xf32>
    %reduce_sum3A_2 = vector.multi_reduction <add>, %get3A_1, %reduce_sum3A [0] : vector<32x2048xf32> to vector<2048xf32>
    %add3A = arith.constant 1.000000e+00 : f32
    %add3A_3 = vector.broadcast %add3A : f32 to vector<2048xf32>
    %add3A_4 = arith.addf %reduce_sum3A_2, %add3A_3 : vector<2048xf32>
    %rsqrt3A = math.rsqrt %add3A_4 : vector<2048xf32>
    %get3A_5 = arith.constant 0 : index
    %get3A_6 = arith.constant 0 : index
    %get3A_7 = arith.constant 0 : index
    %get3A_8 = vector.load %arg1[%get3A_5, %get3A_6, %get3A_7] : memref<2x2048x40xf32, #tpu.memory_space<vmem>>, vector<1x2048x40xf32>
    %get3A_9 = vector.shape_cast %get3A_8 : vector<1x2048x40xf32> to vector<2048x40xf32>
    %get3A_10 = arith.constant 1 : index
    %get3A_11 = arith.constant 0 : index
    %get3A_12 = arith.constant 0 : index
    %get3A_13 = vector.load %arg1[%get3A_10, %get3A_11, %get3A_12] : memref<2x2048x40xf32, #tpu.memory_space<vmem>>, vector<1x2048x40xf32>
    %get3A_14 = vector.shape_cast %get3A_13 : vector<1x2048x40xf32> to vector<2048x40xf32>
    %add3A_15 = arith.addf %get3A_9, %get3A_14 : vector<2048x40xf32>
    %get3A_16 = arith.constant 0 : index
    %get3A_17 = arith.constant 0 : index
    %get3A_18 = vector.load %arg2[%get3A_16, %get3A_17] : memref<2048x40xf32, #tpu.memory_space<vmem>>, vector<2048x40xf32>
    %sub3A = arith.subf %add3A_15, %get3A_18 : vector<2048x40xf32>
    %broadcast_in_dim3A = vector.shape_cast %rsqrt3A : vector<2048xf32> to vector<2048x1xf32>
    %mul3A = vector.broadcast %broadcast_in_dim3A : vector<2048x1xf32> to vector<2048x40xf32>
    %mul3A_19 = arith.mulf %sub3A, %mul3A : vector<2048x40xf32>
    %get3A_20 = arith.constant 0 : index
    %get3A_21 = arith.constant 0 : index
    %get3A_22 = vector.load %arg4[%get3A_20, %get3A_21] : memref<1x40xf32, #tpu.memory_space<vmem>>, vector<1x40xf32>
    %add3A_23 = vector.broadcast %get3A_22 : vector<1x40xf32> to vector<2048x40xf32>
    %add3A_24 = arith.addf %mul3A_19, %add3A_23 : vector<2048x40xf32>
    %swap3A = arith.constant 0 : index
    %swap3A_25 = arith.constant 0 : index
    %swap3A_26 = vector.load %arg5[%swap3A, %swap3A_25] : memref<2048x40xf32, #tpu.memory_space<vmem>>, vector<2048x40xf32>
    tpu.vector_store %arg5[%swap3A, %swap3A_25], %add3A_24 {strides = array<i32>} : memref<2048x40xf32, #tpu.memory_space<vmem>>, vector<2048x40xf32>,
    return
  }
  func.func @transform_0(%arg0: i32) -> (i32, i32, i32) {
    %c0_i32 = arith.constant 0 : i32
    %c0_i32_0 = arith.constant 0 : i32
    %c0_i32_1 = arith.constant 0 : i32
    return %c0_i32, %arg0, %c0_i32_0 : i32, i32, i32
  }
  func.func @transform_1(%arg0: i32) -> (i32, i32) {
    %c0_i32 = arith.constant 0 : i32
    %c0_i32_0 = arith.constant 0 : i32
    return %arg0, %c0_i32 : i32, i32
  }
  func.func @transform_2(%arg0: i32) -> (i32, i32) {
    %c0_i32 = arith.constant 0 : i32
    %c0_i32_0 = arith.constant 0 : i32
    return %c0_i32, %arg0 : i32, i32
  }
  func.func @transform_3(%arg0: i32) -> (i32, i32) {
    %c0_i32 = arith.constant 0 : i32
    %c0_i32_0 = arith.constant 0 : i32
    %c0_i32_1 = arith.constant 0 : i32
    return %c0_i32, %c0_i32_0 : i32, i32
  }
  func.func @transform_4(%arg0: i32) -> (i32, i32) {
    %c0_i32 = arith.constant 0 : i32
    %c0_i32_0 = arith.constant 0 : i32
    return %arg0, %c0_i32 : i32, i32
  }
}

</mosaic_0001>

<sc_bundles>
// kernel: kernel.11.cloned.1.call-start
scs
__scs_entry_jumppad:
0x0: {  	(pc) =	sbr.rel $0x88, $3  }
0x1: {  	(tag) =	ssettag $0x0;
	lr =	simm.s32 $0x1  }
0x2: {  	[smem:$0x3F9B] =	sst lr;
	_ =	strace $0xD0000000  }
0x3: {  	_ = 	snop  }
0x4: {  	_ = 	snop  }
0x5: {  	_ = 	snop  }
0x6: {  	_ = 	snop  }
0x7: {  	_ = 	snop  }
__scs_overlays_trampoline_lowered:
0x8: {  	[smem:$0x3FAA] =	sst s0  }
0x9: {  	[smem:$0x3FAB] =	sst s1  }
0xa: {  	[smem:$0x3FAC] =	sst s2  }
0xb: {  	[smem:$0x3FAD] =	sst s3  }
0xc: {  	[smem:$0x3FAE] =	sst s4  }
0xd: {  	[smem:$0x3FAF] =	sst s5  }
0xe: {  	[smem:$0x3FB0] =	sst s6  }
0xf: {  	[smem:$0x3FB1] =	sst s7  }
0x10: {  	[smem:$0x3FB2] =	sst s8  }
0x11: {  	[smem:$0x3FB3] =	sst s9;
	s0 =	simm.s32 @!p0 $0x0  }
0x12: {  	s1 =	sld [smem:$0x3F99];
	s0 =	simm.s32 @p0 $0x1  }
0x13: {  	[smem:$0x3FB4] =	sst s0;
	s0 =	simm.s32 @!p1 $0x0  }
0x14: {  	s2 =	sld [smem:$0x3F98];
	s0 =	simm.s32 @p1 $0x1  }
0x15: {  	[smem:$0x3FB5] =	sst s0;
	s0 =	simm.s32 @!p2 $0x0  }
0x16: {  	s3 =	sld [smem:$0x3FDB];
	s0 =	simm.s32 @p2 $0x1  }
0x17: {  	s4 =	simm.s32 $0x1BF5;
	[smem:$0x3FB7] =	sst s0  }
0x18: {  	s0 =	sld [smem:$0x3F9A];
	_ =	swait.ge [sflag:s4], $0x0  }
0x19: {  	s7 =	sld [smem:$0x3F9B]  }
0x1a: {  	s8 =	sadd.s32 $0xFFFFE003, lr  }
0x1b: {  	s9 =	sadd.s32 $0xFFFFFEF7, lr;
	s5 =	simm.s32 $0xFFFFFFFF;
	p2 =	slt.u32 s8, $0xFFFFF086  }
0x1c: {  	p1 =	slt.u32 s9, $0xF7A;
	s5 =	simm.s32 @!p2 $0x0  }
0x1d: {  	s5 =	simm.s32 @p1 $0x1;
	p0 =	seq.s32 s7, s2  }
0x1e: {  	s7 =	smul.u32 @!p0 $0xF7A, s2;
	p2 =	seq.s32 @!p0 s5, $0x0  }
0x1f: {  	s9 =	smul.u32 $0xF7A, s1;
	s8 =	simm.s32 @!p0 $0x1BF5;
	p2 =	por !p2, p0  }
0x20: {  	[sflag:s8] =	ssyncset.s32 @!p0 $0xFFFFF086;
	s6 =	sadd.s32 @!p0 s3, s7;
	s7 =	simm.s32 @!p0 $0x108  }
0x21: {  	s3 =	sadd.s32 s3, s9;
	s6 =	sadd.s32 @!p0 $0x88, s6;
	s7 =	simm.s32 @p2 $0x1082  }
0x22: {  	[simem:s7], [sflag:s8] =	dma.local @!p0 [hbm:s6], $0xF7A  }
0x23: {  	s9 =	sor.u32 $0xD0000000, s2;
	s6 =	simm.s32 $0x108;
	_ =	swait.ge @!p0 [sflag:s8], $0x0  }
0x24: {  	s3 =	sadd.s32 $0x88, s3;
	s6 =	simm.s32 @!p1 $0x1082;
	[sflag:s4] =	ssyncset.s32 $0xFFFFF086  }
0x25: {  	[simem:s6], [sflag:s4] =	dma.local [hbm:s3], $0xF7A  }
0x26: {  	[smem:$0x3F9B] =	sst s1;
	(tag) =	ssettag s2;
	_ =	strace s9  }
0x27: {  	s1 =	sld [smem:$0x3FAB]  }
0x28: {  	s2 =	sld [smem:$0x3FAC]  }
0x29: {  	s4 =	sld [smem:$0x3FAE]  }
0x2a: {  	p0 =	seq.s32 s5, $0x0;
	s5 =	sld [smem:$0x3FAF]  }
0x2b: {  	s6 =	sld [smem:$0x3FB0]  }
0x2c: {  	s7 =	sld [smem:$0x3FB1]  }
0x2d: {  	s3 =	simm.s32 $0x108;
	s8 =	sld [smem:$0x3FB2]  }
0x2e: {  	s3 =	simm.s32 @!p0 $0x1082;
	s9 =	sld [smem:$0x3FB3]  }
0x2f: {  	lr =	sadd.s32 s0, s3;
	s0 =	sld [smem:$0x3FAA]  }
0x30: {  	s3 =	sld [smem:$0x3FAD]  }
0x31: {  	[smem:$0x3FB6] =	sst s10  }
0x32: {  	s10 =	sld [smem:$0x3FB4];
	_ =	sdelay $0x3  }
0x33: {  	p0 =	seq.s32 s10, $0x1;
	s10 =	sld [smem:$0x3FB6];
	_ =	sdelay $0x3  }
0x34: {  	[smem:$0x3FB6] =	sst s10  }
0x35: {  	s10 =	sld [smem:$0x3FB5];
	_ =	sdelay $0x3  }
0x36: {  	p1 =	seq.s32 s10, $0x1;
	s10 =	sld [smem:$0x3FB6];
	_ =	sdelay $0x3  }
0x37: {  	[smem:$0x3FB6] =	sst s10  }
0x38: {  	s10 =	sld [smem:$0x3FB7]  }
0x39: {  	_ = 	snop;
	(pc) =	sbr.ind lr, $3  }
0x3a: {  	_ = 	snop  }
0x3b: {  	_ = 	snop  }
0x3c: {  	p2 =	seq.s32 s10, $0x1;
	s10 =	sld [smem:$0x3FB6]  }
0x3d: {  	_ =	shalt  }
0x3e: {  	_ =	shalt  }
0x3f: {  	_ =	shalt  }
0x40: {  	_ =	shalt  }
0x41: {  	_ =	shalt  }
0x42: {  	_ =	shalt  }
0x43: {  	_ =	shalt  }
0x44: {  	_ =	shalt  }
0x45: {  	_ =	shalt  }
0x46: {  	_ =	shalt  }
0x47: {  	_ =	shalt  }
0x48: {  	_ =	shalt  }
0x49: {  	_ =	shalt  }
0x4a: {  	_ =	shalt  }
0x4b: {  	_ =	shalt  }
0x4c: {  	_ =	shalt  }
0x4d: {  	_ =	shalt  }
0x4e: {  	_ =	shalt  }
0x4f: {  	_ =	shalt  }
0x50: {  	_ =	shalt  }
0x51: {  	_ =	shalt  }
0x52: {  	_ =	shalt  }
0x53: {  	_ =	shalt  }
0x54: {  	_ =	shalt  }
0x55: {  	_ =	shalt  }
0x56: {  	_ =	shalt  }
0x57: {  	_ =	shalt  }
0x58: {  	_ =	shalt  }
0x59: {  	_ =	shalt  }
0x5a: {  	_ =	shalt  }
0x5b: {  	_ =	shalt  }
0x5c: {  	_ =	shalt  }
0x5d: {  	_ =	shalt  }
0x5e: {  	_ =	shalt  }
0x5f: {  	_ =	shalt  }
0x60: {  	_ =	shalt  }
0x61: {  	_ =	shalt  }
0x62: {  	_ =	shalt  }
0x63: {  	_ =	shalt  }
0x64: {  	_ =	shalt  }
0x65: {  	_ =	shalt  }
0x66: {  	_ =	shalt  }
0x67: {  	_ =	shalt  }
0x68: {  	_ =	shalt  }
0x69: {  	_ =	shalt  }
0x6a: {  	_ =	shalt  }
0x6b: {  	_ =	shalt  }
0x6c: {  	_ =	shalt  }
0x6d: {  	_ =	shalt  }
0x6e: {  	_ =	shalt  }
0x6f: {  	_ =	shalt  }
0x70: {  	_ =	shalt  }
0x71: {  	_ =	shalt  }
0x72: {  	_ =	shalt  }
0x73: {  	_ =	shalt  }
0x74: {  	_ =	shalt  }
0x75: {  	_ =	shalt  }
0x76: {  	_ =	shalt  }
0x77: {  	_ =	shalt  }
0x78: {  	_ =	shalt  }
0x79: {  	_ =	shalt  }
0x7a: {  	_ =	shalt  }
0x7b: {  	_ =	shalt  }
0x7c: {  	_ =	shalt  }
0x7d: {  	_ =	shalt  }
0x7e: {  	_ =	shalt  }
0x7f: {  	_ =	shalt  }
0x80: {  	_ =	shalt  }
0x81: {  	_ =	shalt  }
0x82: {  	_ =	shalt  }
0x83: {  	_ =	shalt  }
0x84: {  	_ =	shalt  }
0x85: {  	_ =	shalt  }
0x86: {  	_ =	shalt  }
0x87: {  	_ =	shalt  }
.Lfunc_end0:
.L_simem_size_0:
called_computation.1_lowered:
.L_overlay_start_0:
0x88: {  	s2 =	sld [smem:$0x3FD9]  }
0x89: {  	s3 =	sld [smem:$0x3FFE];
	_ =	sdelay $0x1  }
0x8a: {  	s1 =	srdreg.scid  }
0x8b: {  	s0 =	sand.u32 $0x1, s1  }
0x8c: {  	s16 =	sshll.u32 s0, $0xA;
	s2 =	sadd.s32 s3, s2  }
0x8d: {  	s2 =	sadd.s32 s2, s16  }
0x8e: {  	[smem:$0x3FC2] =	sst s2  }
0x8f: {  	_ = 	snop  }
0x90: {  	(tm) =	ssettm $0x1  }
0x91: {  	s17 =	sld [smem:$0x3FFB];
	_ =	sdelay $0x3  }
0x92: {  	_ =	strace s17  }
0x93: {  	s2 =	sld [smem:$0x3FFC];
	_ =	sdelay $0x3  }
0x94: {  	_ =	strace s2  }
0x95: {  	s2 =	sld [smem:$0x3FFD];
	_ =	sdelay $0x3  }
0x96: {  	_ =	strace s2  }
0x97: {  	_ =	strace $0x8FFFFFFF  }
0x98: {  	s18 =	sld [smem:$0x3FDB];
	_ =	sdelay $0x1  }
0x99: {  	s19 =	simm.s32 $_scs_section_size  }
0x9a: {  	s4 =	simm.s32 $_size__tile_overlayer_lowered;
	s5 =	simm.s32 $_tile_overlayer_lowered  }
0x9b: {  	s22 =	simm.s32 $0x1BFF;
	s21 =	sshll.u32 s5, $0x1;
	s2 =	sadd.s32 s19, s18  }
0x9c: {  	s6 =	simm.s32 $0x0;
	s20 =	sshll.u32 s4, $0x1;
	s4 =	sadd.s32 s21, s2  }
0x9d: {  	[timem:s6], [sflag:s22] =	dma.local [hbm:s4], s20  }
0x9e: {  	_ =	swait.ge [sflag:s22], s20  }
0x9f: {  	s3 =	ssub.s32 $0x0, s20;
	[sflag:s22] =	ssyncset.done $0x0  }
0xa0: {  	[sflag:s22] =	ssyncadd.s32 s3;
	_ =	sdelay $0x1  }
0xa1: {  	s23 =	simm.s32 $0x1B8B  }
0xa2: {  	_ =	swait.ge [sflag:s23], $0x1  }
0xa3: {  	[sflag:s23] =	ssyncset.done $0x0  }
0xa4: {  	s25 =	simm.s32 $0x1B8E;
	s24 =	sld [smem:$0x3FFE];
	[sflag:s23] =	ssyncadd.s32 $0xFFFFFFFF  }
0xa5: {  	s26 =	simm.s32 $execute0_lowered;
	[smem:$0x3FD2] =	sst s25  }
0xa6: {  	s4 =	sshll.u32 s26, $0x1;
	_ =	strace $0x80000049;
	[dreg:$0x1] =	wrdreg $0xFFFFFFFF  }
0xa7: {  	s28 =	simm.s32 $_size_execute0_lowered;
	s2 =	sadd.s32 s2, s4;
	[dreg:$0x0] =	wrdreg $0x0  }
0xa8: {  	s4 =	sshll.u32 s28, $0x1;
	[dreg:$0x2] =	wrdreg s2  }
0xa9: {  	[dreg:$0x3] =	wrdreg s4  }
0xaa: {  	[dreg:$0x4] =	wrdreg $0xC0  }
0xab: {  	_ =	task [dreg:s6], $0x5FFFF  }
0xac: {  	[dreg:$0x1] =	wrdreg $0xFFFFFFFF  }
0xad: {  	[dreg:$0x0] =	wrdreg $0x60  }
0xae: {  	[dreg:$0x2] =	wrdreg s24  }
0xaf: {  	[dreg:$0x3] =	wrdreg $0x84000  }
0xb0: {  	[dreg:$0x4] =	wrdreg $0x9  }
0xb1: {  	_ =	task.clear_ibuf [dreg:s6], $0x5FFFF;
	_ =	strace $0x90000049  }
0xb2: {  	s29 =	simm.s32 $0x9;
	_ =	strace $0x8000004B  }
0xb3: {  	_ =	swait.ge [sflag:s29], $0x1  }
0xb4: {  	[sflag:s29] =	ssyncadd.s32 $0xFFFFFFFF  }
0xb5: {  	_ =	strace $0x9000004B  }
0xb6: {  	_ =	sfence  }
0xb7: {  	s30 =	sld [smem:$0x0];
	_ =	sdelay $0x2  }
0xb8: {  	s31 =	sshll.u32 s1, $0xD;
	s1 =	sshrl.u32 s1, $0x2  }
0xb9: {  	s3 =	sand.u32 $0x4000, s31;
	s1 =	sadd.s32 s1, s30  }
0xba: {  	s0 =	sor.u32 s3, s0;
	s1 =	sshll.u32 s1, $0x11  }
0xbb: {  	s0 =	sor.u32 s1, s0  }
0xbc: {  	s0 =	sadd.s32 $0x8F2B, s0  }
0xbd: {  	[sflag:s0] =	ssyncadd.remote.s32 $0x1  }
0xbe: {  	_ =	sfence.sel $0xFFFF  }
0xbf: {  	[dreg:$0x0] =	wrdreg $0xFFFFFFFF;
	(pc) =	sbr.abs _section_cstart, $3  }
0xc0: {  	[dreg:$0x1] =	wrdreg $0xFFFFFFFF  }
0xc1: {  	_ =	task.clear_ibuf [dreg:s6], $0x2FFFF;
	_ =	strace $0x9FFFFFFF  }
0xc2: {  	(tm) =	ssettm $0x7FFFFFFF  }
0xc3: {  	_ =	shalt  }
tec
execute0_lowered:
.L_overlay_start_1:
0x0: {  	(tag) =	ssettag $0x1  }
0x1: {  	s7 =	rddreg [dreg:$0x0]  }
0x2: {  	s2 =	rddreg [dreg:$0x1]  }
0x3: {  	s0 =	rddreg [dreg:$0x2]  }
0x4: {  	s3 =	simm.s32 $0x0;
	s4 =	srdreg.scid;
	s1 =	stileid.u32  }
0x5: {  	s15 =	simm.s32 $0x7;
	s16 =	simm.s32 $0x100;
	s17 =	simm.s32 $0x200  }
0x6: {  	s18 =	simm.s32 $0x1;
	s19 =	simm.s32 $0x80;
	s20 =	simm.s32 $0x400  }
0x7: {  	s21 =	simm.s32 $0x0;
	[smem:$0x7FF] =	sst s3;
	s6 =	sand.u32 $0x1, s4  }
0x8: {  	s8 =	smul.u32 $0x14000, s1;
	s4 =	sadd.s32 $0x1F400, s7;
	s5 =	sadd.s32 $0xB800, s7  }
0x9: {  	s30 =	sshll.u32 s1, $0x6;
	_ =	strace $0x8000004A;
	s10 =	sshll.u32 s6, $0x4  }
0xa: {  	s9 =	smul.u32 $0x140000, s6;
	s11 =	ssub.s32 $0x2, s6;
	s26 =	sor.u32 s1, s10  }
0xb: {  	s28 =	sshrl.u32 s11, $0x1;
	s14 =	sadd.s32 s8, s2;
	s6 =	smul.u32 $0x4F00, s26  }
.Ltmp0:
0xc: {  	s29 =	sshrl.u32 s8, $0x3;
	s9 =	sadd.s32 s8, s9;
	(pc) =	sbr.rel .LBB2_1-.Ltmp0, $4  }
0xd: {  	s13 =	ssub.s32 s11, s28;
	s8 =	sor.u32 $0x1C07, s30;
	s14 =	sshrl.u32 s14, $0x3  }
0xe: {  	s9 =	sshrl.u32 s9, $0x3;
	s13 =	smax.u32 s13, $0x1;
	s31 =	sshrl.u32 s6, $0x3  }
0xf: {  	s12 =	sadd.s32 s9, s7;
	s7 =	sadd.s32 s4, s29;
	s9 =	sadd.s32 s5, s31  }
0x10: {  	s12 =	sadd.s32 $0x47400, s12;
	s10 =	sadd.s32 $0x20, s9;
	s11 =	sadd.s32 $0x40, s9  }
.LBB2_7:
0x11: {  	s21 =	sadd.s32 $0x1, s21  }
0x12: {  	p0 =	sne.s32 s21, s13  }
.Ltmp1:
0x13: {  	[bflag:$0x0] =	sbarrier.arrive $0xFFFF;
	(pc) =	sbr.rel @!p0 .LBB2_8-.Ltmp1, $4  }
0x14: {  	[hbm:s12], [sflag:s8] =	dma.local [spmem:s14], $0x2800  }
0x15: {  	_ =	swait.ge [sflag:s15], $0x2800  }
0x16: {  	[sflag:s15] =	ssyncset.done $0x0  }
0x17: {  	[sflag:s15] =	ssyncadd.s32 $0xFFFFD800  }
.LBB2_1:
0x18: {  	[spmem:s14], [sflag:s8] =	dma.local [hbm:s7], $0x2800  }
0x19: {  	_ =	swait.ge [sflag:s15], $0x2800  }
0x1a: {  	[sflag:s15] =	ssyncset.done $0x0  }
0x1b: {  	[sflag:s15] =	ssyncadd.s32 $0xFFFFD800  }
0x1c: {  	[tilespmem:s3], [sflag:$0x1] =	stream.linear.gather [hbm4b:s9+s3], $0x100, $0x38;
	[tilespmem:$0x1C400] =	vst v63  }
0x1d: {  	_ = 	snop  }
0x1e: {  	[tilespmem:s16], [sflag:$0x2] =	stream.linear.gather [hbm4b:s10+s3], $0x100, $0x38;
	[tilespmem:$0x1C400] =	vst v63  }
0x1f: {  	_ = 	snop  }
0x20: {  	[tilespmem:s17], [sflag:$0x3] =	stream.linear.gather [hbm4b:s11+s3], $0x100, $0x38;
	[tilespmem:$0x1C400] =	vst v63  }
.Ltmp2:
0x21: {  	[bflag:$0x0] =	sbarrier.arrive $0xFFFF;
	(pc) =	sbr.rel .LBB2_2-.Ltmp2, $4  }
0x22: {  	_ =	swait.ge [sflag:s18], $0x100  }
0x23: {  	[sflag:s18] =	ssyncset.done $0x0  }
0x24: {  	s22 =	simm.s32 $0x0;
	[sflag:s18] =	ssyncadd.s32 $0xFFFFFF00  }
0x25: {  	[tilespmem:s20], [sflag:$0x5] =	stream.indirect.gather [hbm4b:s4+s19], $0x80, s3, s19, $0xb8;
	[tilespmem:$0x1C400] =	vst v63  }
.LBB2_3:
0x26: {  	s24 =	sadd.s32 $0x3, s22  }
0x27: {  	s25 =	sshll.u32 s24, $0x8  }
0x28: {  	s25 =	sadd.s32 s6, s25  }
0x29: {  	s24 =	sand.u32 $0x3, s24;
	s25 =	sshrl.u32 s25, $0x3  }
0x2a: {  	s26 =	sshll.u32 s24, $0x8;
	s24 =	sadd.s32 $0x1, s24;
	s25 =	sadd.s32 s5, s25  }
0x2b: {  	[tilespmem:s26], [sflag:s24] =	stream.linear.gather [hbm4b:s25+s3], $0x100, $0x38;
	[tilespmem:$0x1C400] =	vst v63  }
.LBB2_5:
0x2c: {  	s24 =	sadd.s32 $0x1, s22  }
0x2d: {  	s25 =	sand.u32 $0x3, s24  }
0x2e: {  	s26 =	sadd.s32 $0x1, s25  }
0x2f: {  	s28 =	sand.u32 $0x1, s24;
	_ =	swait.ge [sflag:s26], $0x100  }
0x30: {  	s31 =	sshll.u32 s28, $0xE;
	s25 =	sshll.u32 s25, $0x8;
	[sflag:s26] =	ssyncset.done $0x0  }
0x31: {  	s28 =	sadd.s32 $0x5, s28;
	[sflag:s26] =	ssyncadd.s32 $0xFFFFFF00;
	s26 =	sor.u32 $0x400, s31  }
0x32: {  	[tilespmem:s26], [sflag:s28] =	stream.indirect.gather [hbm4b:s4+s19], $0x80, s25, s19, $0xb8;
	[tilespmem:$0x1C400] =	vst v63  }
.LBB2_6:
0x33: {  	s22 =	sshll.u32 s22, $0x8  }
0x34: {  	s23 =	sshll.u32 s23, $0xE;
	p0 =	slt.u32 s24, $0x4F;
	s22 =	sand.u32 $0x300, s22  }
.Ltmp3:
0x35: {  	s23 =	sor.u32 $0x400, s23;
	s22 =	sor.u32 $0x80, s22;
	(pc) =	sbr.rel @!p0 .LBB2_7-.Ltmp3, $4  }
0x36: {  	[spmem:s2] =	stream.indirect.scatter.add.f32 [tilespmem:s23], [sflag:$0x7], $0x80, s22, s19, $0xb8;
	[tilespmem:$0x1C400] =	vst v63  }
0x37: {  	_ =	swait.ge [sflag:s15], $0x4000  }
0x38: {  	[sflag:s15] =	ssyncset.done $0x0  }
0x39: {  	s22 =	smov.u32 s24;
	[sflag:s15] =	ssyncadd.s32 $0xFFFFC000  }
.LBB2_2:
0x3a: {  	p0 =	sgt.u32 s22, $0x4B  }
.Ltmp4:
0x3b: {  	s23 =	sand.u32 $0x1, s22;
	(pc) =	sbr.rel @!p0 .LBB2_3-.Ltmp4, $4  }
0x3c: {  	s24 =	sadd.s32 $0x5, s23  }
0x3d: {  	_ =	swait.ge [sflag:s24], $0x4000  }
0x3e: {  	[sflag:s24] =	ssyncset.done $0x0  }
0x3f: {  	[sflag:s24] =	ssyncadd.s32 $0xFFFFC000  }
0x40: {  	p0 =	seq.s32 s22, $0x4E  }
.Ltmp5:
0x41: {  	_ = 	snop;
	(pc) =	sbr.rel @p0 .LBB2_6-.Ltmp5, $4  }
.Ltmp6:
0x42: {  	_ = 	snop;
	(pc) =	sbr.rel @!p0 .LBB2_5-.Ltmp6, $4  }
0x43: {  	_ = 	snop  }
0x44: {  	_ = 	snop  }
0x45: {  	s24 =	simm.s32 $0x4F  }
0x46: {  	_ = 	snop  }
.LBB2_8:
0x47: {  	_ =	sfence.sel $0x180000  }
0x48: {  	[bflag:$0x0] =	sbarrier.arrive $0xFFFF  }
0x49: {  	p0 =	sne.s32 s1, $0x0;
	_ =	strace $0x9000004A  }
0x4a: {  	s0 =	sadd.s32 @!p0 $0x100000, s0;
	[bflag:$0x2] =	sbarrier.arrive $0xFFFF  }
0x4b: {  	[sflag:s0] =	ssyncadd.tile.s32 @!p0 $0x1;
	_ =	shalt  }
.Lfunc_end2:
_tile_overlayer_lowered:
.L_overlay_start_2:
0x4c: {  	(tag) =	ssettag $0x2  }
0x4d: {  	s0 =	rddreg [dreg:$0x0];
	s2 =	stileid.u32  }
0x4e: {  	s1 =	rddreg [dreg:$0x1];
	p0 =	sne.s32 s2, $0x0  }
0x4f: {  	s3 =	rddreg [dreg:$0x2];
	[bflag:$0x3] =	sbarrier.arrive $0xFFFF;
	s2 =	simm.s32 @!p0 $0x1C07  }
0x50: {  	[timem:s3], [sflag:s2] =	dma.local @!p0 [hbm:s0], s1  }
0x51: {  	s0 =	simm.s32 @!p0 $0x7  }
0x52: {  	_ =	swait.ge @!p0 [sflag:s0], s1  }
0x53: {  	s1 =	ssub.s32 @!p0 $0x0, s1;
	[sflag:s0] =	ssyncset.done @!p0 $0x0  }
0x54: {  	[sflag:s0] =	ssyncadd.s32 @!p0 s1  }
0x55: {  	[bflag:$0x3] =	sbarrier.arrive $0xFFFF  }
0x56: {  	_ =	shalt  }

// kernel: kernel.14.cloned.1.call-start
scs
__scs_entry_jumppad:
0x0: {  	(pc) =	sbr.rel $0x88, $3  }
0x1: {  	(tag) =	ssettag $0x0;
	lr =	simm.s32 $0x1  }
0x2: {  	[smem:$0x3F9B] =	sst lr;
	_ =	strace $0xD0000000  }
0x3: {  	_ = 	snop  }
0x4: {  	_ = 	snop  }
0x5: {  	_ = 	snop  }
0x6: {  	_ = 	snop  }
0x7: {  	_ = 	snop  }
__scs_overlays_trampoline_lowered:
0x8: {  	[smem:$0x3FAA] =	sst s0  }
0x9: {  	[smem:$0x3FAB] =	sst s1  }
0xa: {  	[smem:$0x3FAC] =	sst s2  }
0xb: {  	[smem:$0x3FAD] =	sst s3  }
0xc: {  	[smem:$0x3FAE] =	sst s4  }
0xd: {  	[smem:$0x3FAF] =	sst s5  }
0xe: {  	[smem:$0x3FB0] =	sst s6  }
0xf: {  	[smem:$0x3FB1] =	sst s7  }
0x10: {  	[smem:$0x3FB2] =	sst s8  }
0x11: {  	[smem:$0x3FB3] =	sst s9;
	s0 =	simm.s32 @!p0 $0x0  }
0x12: {  	s1 =	sld [smem:$0x3F99];
	s0 =	simm.s32 @p0 $0x1  }
0x13: {  	[smem:$0x3FB4] =	sst s0;
	s0 =	simm.s32 @!p1 $0x0  }
0x14: {  	s2 =	sld [smem:$0x3F98];
	s0 =	simm.s32 @p1 $0x1  }
0x15: {  	[smem:$0x3FB5] =	sst s0;
	s0 =	simm.s32 @!p2 $0x0  }
0x16: {  	s3 =	sld [smem:$0x3FDB];
	s0 =	simm.s32 @p2 $0x1  }
0x17: {  	s4 =	simm.s32 $0x1BF5;
	[smem:$0x3FB7] =	sst s0  }
0x18: {  	s0 =	sld [smem:$0x3F9A];
	_ =	swait.ge [sflag:s4], $0x0  }
0x19: {  	s7 =	sld [smem:$0x3F9B]  }
0x1a: {  	s8 =	sadd.s32 $0xFFFFE003, lr  }
0x1b: {  	s9 =	sadd.s32 $0xFFFFFEF7, lr;
	s5 =	simm.s32 $0xFFFFFFFF;
	p2 =	slt.u32 s8, $0xFFFFF086  }
0x1c: {  	p1 =	slt.u32 s9, $0xF7A;
	s5 =	simm.s32 @!p2 $0x0  }
0x1d: {  	s5 =	simm.s32 @p1 $0x1;
	p0 =	seq.s32 s7, s2  }
0x1e: {  	s7 =	smul.u32 @!p0 $0xF7A, s2;
	p2 =	seq.s32 @!p0 s5, $0x0  }
0x1f: {  	s9 =	smul.u32 $0xF7A, s1;
	s8 =	simm.s32 @!p0 $0x1BF5;
	p2 =	por !p2, p0  }
0x20: {  	[sflag:s8] =	ssyncset.s32 @!p0 $0xFFFFF086;
	s6 =	sadd.s32 @!p0 s3, s7;
	s7 =	simm.s32 @!p0 $0x108  }
0x21: {  	s3 =	sadd.s32 s3, s9;
	s6 =	sadd.s32 @!p0 $0x88, s6;
	s7 =	simm.s32 @p2 $0x1082  }
0x22: {  	[simem:s7], [sflag:s8] =	dma.local @!p0 [hbm:s6], $0xF7A  }
0x23: {  	s9 =	sor.u32 $0xD0000000, s2;
	s6 =	simm.s32 $0x108;
	_ =	swait.ge @!p0 [sflag:s8], $0x0  }
0x24: {  	s3 =	sadd.s32 $0x88, s3;
	s6 =	simm.s32 @!p1 $0x1082;
	[sflag:s4] =	ssyncset.s32 $0xFFFFF086  }
0x25: {  	[simem:s6], [sflag:s4] =	dma.local [hbm:s3], $0xF7A  }
0x26: {  	[smem:$0x3F9B] =	sst s1;
	(tag) =	ssettag s2;
	_ =	strace s9  }
0x27: {  	s1 =	sld [smem:$0x3FAB]  }
0x28: {  	s2 =	sld [smem:$0x3FAC]  }
0x29: {  	s4 =	sld [smem:$0x3FAE]  }
0x2a: {  	p0 =	seq.s32 s5, $0x0;
	s5 =	sld [smem:$0x3FAF]  }
0x2b: {  	s6 =	sld [smem:$0x3FB0]  }
0x2c: {  	s7 =	sld [smem:$0x3FB1]  }
0x2d: {  	s3 =	simm.s32 $0x108;
	s8 =	sld [smem:$0x3FB2]  }
0x2e: {  	s3 =	simm.s32 @!p0 $0x1082;
	s9 =	sld [smem:$0x3FB3]  }
0x2f: {  	lr =	sadd.s32 s0, s3;
	s0 =	sld [smem:$0x3FAA]  }
0x30: {  	s3 =	sld [smem:$0x3FAD]  }
0x31: {  	[smem:$0x3FB6] =	sst s10  }
0x32: {  	s10 =	sld [smem:$0x3FB4];
	_ =	sdelay $0x3  }
0x33: {  	p0 =	seq.s32 s10, $0x1;
	s10 =	sld [smem:$0x3FB6];
	_ =	sdelay $0x3  }
0x34: {  	[smem:$0x3FB6] =	sst s10  }
0x35: {  	s10 =	sld [smem:$0x3FB5];
	_ =	sdelay $0x3  }
0x36: {  	p1 =	seq.s32 s10, $0x1;
	s10 =	sld [smem:$0x3FB6];
	_ =	sdelay $0x3  }
0x37: {  	[smem:$0x3FB6] =	sst s10  }
0x38: {  	s10 =	sld [smem:$0x3FB7]  }
0x39: {  	_ = 	snop;
	(pc) =	sbr.ind lr, $3  }
0x3a: {  	_ = 	snop  }
0x3b: {  	_ = 	snop  }
0x3c: {  	p2 =	seq.s32 s10, $0x1;
	s10 =	sld [smem:$0x3FB6]  }
0x3d: {  	_ =	shalt  }
0x3e: {  	_ =	shalt  }
0x3f: {  	_ =	shalt  }
0x40: {  	_ =	shalt  }
0x41: {  	_ =	shalt  }
0x42: {  	_ =	shalt  }
0x43: {  	_ =	shalt  }
0x44: {  	_ =	shalt  }
0x45: {  	_ =	shalt  }
0x46: {  	_ =	shalt  }
0x47: {  	_ =	shalt  }
0x48: {  	_ =	shalt  }
0x49: {  	_ =	shalt  }
0x4a: {  	_ =	shalt  }
0x4b: {  	_ =	shalt  }
0x4c: {  	_ =	shalt  }
0x4d: {  	_ =	shalt  }
0x4e: {  	_ =	shalt  }
0x4f: {  	_ =	shalt  }
0x50: {  	_ =	shalt  }
0x51: {  	_ =	shalt  }
0x52: {  	_ =	shalt  }
0x53: {  	_ =	shalt  }
0x54: {  	_ =	shalt  }
0x55: {  	_ =	shalt  }
0x56: {  	_ =	shalt  }
0x57: {  	_ =	shalt  }
0x58: {  	_ =	shalt  }
0x59: {  	_ =	shalt  }
0x5a: {  	_ =	shalt  }
0x5b: {  	_ =	shalt  }
0x5c: {  	_ =	shalt  }
0x5d: {  	_ =	shalt  }
0x5e: {  	_ =	shalt  }
0x5f: {  	_ =	shalt  }
0x60: {  	_ =	shalt  }
0x61: {  	_ =	shalt  }
0x62: {  	_ =	shalt  }
0x63: {  	_ =	shalt  }
0x64: {  	_ =	shalt  }
0x65: {  	_ =	shalt  }
0x66: {  	_ =	shalt  }
0x67: {  	_ =	shalt  }
0x68: {  	_ =	shalt  }
0x69: {  	_ =	shalt  }
0x6a: {  	_ =	shalt  }
0x6b: {  	_ =	shalt  }
0x6c: {  	_ =	shalt  }
0x6d: {  	_ =	shalt  }
0x6e: {  	_ =	shalt  }
0x6f: {  	_ =	shalt  }
0x70: {  	_ =	shalt  }
0x71: {  	_ =	shalt  }
0x72: {  	_ =	shalt  }
0x73: {  	_ =	shalt  }
0x74: {  	_ =	shalt  }
0x75: {  	_ =	shalt  }
0x76: {  	_ =	shalt  }
0x77: {  	_ =	shalt  }
0x78: {  	_ =	shalt  }
0x79: {  	_ =	shalt  }
0x7a: {  	_ =	shalt  }
0x7b: {  	_ =	shalt  }
0x7c: {  	_ =	shalt  }
0x7d: {  	_ =	shalt  }
0x7e: {  	_ =	shalt  }
0x7f: {  	_ =	shalt  }
0x80: {  	_ =	shalt  }
0x81: {  	_ =	shalt  }
0x82: {  	_ =	shalt  }
0x83: {  	_ =	shalt  }
0x84: {  	_ =	shalt  }
0x85: {  	_ =	shalt  }
0x86: {  	_ =	shalt  }
0x87: {  	_ =	shalt  }
.Lfunc_end0:
.L_simem_size_0:
called_computation.2_lowered:
.L_overlay_start_0:
0x88: {  	s2 =	sld [smem:$0x3FD9]  }
0x89: {  	s3 =	sld [smem:$0x3FFE];
	_ =	sdelay $0x1  }
0x8a: {  	s1 =	srdreg.scid  }
0x8b: {  	s0 =	sand.u32 $0x1, s1  }
0x8c: {  	s16 =	sshll.u32 s0, $0xA;
	s2 =	sadd.s32 s3, s2  }
0x8d: {  	s2 =	sadd.s32 s2, s16  }
0x8e: {  	[smem:$0x3FC2] =	sst s2  }
0x8f: {  	_ = 	snop  }
0x90: {  	(tm) =	ssettm $0x1  }
0x91: {  	s17 =	sld [smem:$0x3FFB];
	_ =	sdelay $0x3  }
0x92: {  	_ =	strace s17  }
0x93: {  	s2 =	sld [smem:$0x3FFC];
	_ =	sdelay $0x3  }
0x94: {  	_ =	strace s2  }
0x95: {  	s2 =	sld [smem:$0x3FFD];
	_ =	sdelay $0x3  }
0x96: {  	_ =	strace s2  }
0x97: {  	_ =	strace $0x8FFFFFFF  }
0x98: {  	s18 =	sld [smem:$0x3FDB];
	_ =	sdelay $0x1  }
0x99: {  	s19 =	simm.s32 $_scs_section_size  }
0x9a: {  	s4 =	simm.s32 $_size__tile_overlayer_lowered;
	s5 =	simm.s32 $_tile_overlayer_lowered  }
0x9b: {  	s22 =	simm.s32 $0x1BFF;
	s21 =	sshll.u32 s5, $0x1;
	s2 =	sadd.s32 s19, s18  }
0x9c: {  	s6 =	simm.s32 $0x0;
	s20 =	sshll.u32 s4, $0x1;
	s4 =	sadd.s32 s21, s2  }
0x9d: {  	[timem:s6], [sflag:s22] =	dma.local [hbm:s4], s20  }
0x9e: {  	_ =	swait.ge [sflag:s22], s20  }
0x9f: {  	s3 =	ssub.s32 $0x0, s20;
	[sflag:s22] =	ssyncset.done $0x0  }
0xa0: {  	[sflag:s22] =	ssyncadd.s32 s3;
	_ =	sdelay $0x1  }
0xa1: {  	s23 =	simm.s32 $0x1B8B  }
0xa2: {  	_ =	swait.ge [sflag:s23], $0x1  }
0xa3: {  	[sflag:s23] =	ssyncset.done $0x0  }
0xa4: {  	s25 =	simm.s32 $0x1B8E;
	s24 =	sld [smem:$0x3FFE];
	[sflag:s23] =	ssyncadd.s32 $0xFFFFFFFF  }
0xa5: {  	s26 =	simm.s32 $execute0_lowered;
	[smem:$0x3FD2] =	sst s25  }
0xa6: {  	s4 =	sshll.u32 s26, $0x1;
	_ =	strace $0x8000004C;
	[dreg:$0x1] =	wrdreg $0xFFFFFFFF  }
0xa7: {  	s28 =	simm.s32 $_size_execute0_lowered;
	s2 =	sadd.s32 s2, s4;
	[dreg:$0x0] =	wrdreg $0x0  }
0xa8: {  	s4 =	sshll.u32 s28, $0x1;
	[dreg:$0x2] =	wrdreg s2  }
0xa9: {  	[dreg:$0x3] =	wrdreg s4  }
0xaa: {  	[dreg:$0x4] =	wrdreg $0xC0  }
0xab: {  	_ =	task [dreg:s6], $0x5FFFF  }
0xac: {  	[dreg:$0x1] =	wrdreg $0xFFFFFFFF  }
0xad: {  	[dreg:$0x0] =	wrdreg $0x60  }
0xae: {  	[dreg:$0x2] =	wrdreg s24  }
0xaf: {  	[dreg:$0x3] =	wrdreg $0x2C000  }
0xb0: {  	[dreg:$0x4] =	wrdreg $0x9  }
0xb1: {  	_ =	task.clear_ibuf [dreg:s6], $0x5FFFF;
	_ =	strace $0x9000004C  }
0xb2: {  	s29 =	simm.s32 $0x9;
	_ =	strace $0x8000004E  }
0xb3: {  	_ =	swait.ge [sflag:s29], $0x1  }
0xb4: {  	[sflag:s29] =	ssyncadd.s32 $0xFFFFFFFF  }
0xb5: {  	_ =	strace $0x9000004E  }
0xb6: {  	_ =	sfence  }
0xb7: {  	s30 =	sld [smem:$0x0];
	_ =	sdelay $0x2  }
0xb8: {  	s31 =	sshll.u32 s1, $0xD;
	s1 =	sshrl.u32 s1, $0x2  }
0xb9: {  	s3 =	sand.u32 $0x4000, s31;
	s1 =	sadd.s32 s1, s30  }
0xba: {  	s0 =	sor.u32 s3, s0;
	s1 =	sshll.u32 s1, $0x11  }
0xbb: {  	s0 =	sor.u32 s1, s0  }
0xbc: {  	s0 =	sadd.s32 $0x8F2B, s0  }
0xbd: {  	[sflag:s0] =	ssyncadd.remote.s32 $0x1  }
0xbe: {  	_ =	sfence.sel $0xFFFF  }
0xbf: {  	[dreg:$0x0] =	wrdreg $0xFFFFFFFF;
	(pc) =	sbr.abs _section_cstart, $3  }
0xc0: {  	[dreg:$0x1] =	wrdreg $0xFFFFFFFF  }
0xc1: {  	_ =	task.clear_ibuf [dreg:s6], $0x2FFFF;
	_ =	strace $0x9FFFFFFF  }
0xc2: {  	(tm) =	ssettm $0x7FFFFFFF  }
0xc3: {  	_ =	shalt  }
tec
execute0_lowered:
.L_overlay_start_1:
0x0: {  	(tag) =	ssettag $0x1  }
0x1: {  	s7 =	rddreg [dreg:$0x0]  }
0x2: {  	s2 =	rddreg [dreg:$0x1]  }
0x3: {  	s0 =	rddreg [dreg:$0x2]  }
0x4: {  	s3 =	simm.s32 $0x0;
	s4 =	srdreg.scid;
	s1 =	stileid.u32  }
0x5: {  	s15 =	simm.s32 $0x7;
	s16 =	simm.s32 $0x100;
	s17 =	simm.s32 $0x200  }
0x6: {  	s18 =	simm.s32 $0x1;
	s19 =	simm.s32 $0x80;
	s20 =	simm.s32 $0x400  }
0x7: {  	s21 =	simm.s32 $0x0;
	[smem:$0x7FF] =	sst s3;
	s6 =	sand.u32 $0x1, s4  }
0x8: {  	s8 =	smul.u32 $0x6400, s1;
	s4 =	sadd.s32 $0x1F400, s7;
	s5 =	sadd.s32 $0xB800, s7  }
0x9: {  	s30 =	sshll.u32 s1, $0x6;
	_ =	strace $0x8000004D;
	s10 =	sshll.u32 s6, $0x4  }
0xa: {  	s9 =	smul.u32 $0x64000, s6;
	s11 =	ssub.s32 $0x2, s6;
	s26 =	sor.u32 s1, s10  }
0xb: {  	s28 =	sshrl.u32 s11, $0x1;
	s14 =	sadd.s32 s8, s2;
	s6 =	smul.u32 $0x4F00, s26  }
.Ltmp0:
0xc: {  	s29 =	sshrl.u32 s8, $0x3;
	s9 =	sadd.s32 s8, s9;
	(pc) =	sbr.rel .LBB2_1-.Ltmp0, $4  }
0xd: {  	s13 =	ssub.s32 s11, s28;
	s8 =	sor.u32 $0x1C07, s30;
	s14 =	sshrl.u32 s14, $0x3  }
0xe: {  	s9 =	sshrl.u32 s9, $0x3;
	s13 =	smax.u32 s13, $0x1;
	s31 =	sshrl.u32 s6, $0x3  }
0xf: {  	s12 =	sadd.s32 s9, s7;
	s7 =	sadd.s32 s4, s29;
	s9 =	sadd.s32 s5, s31  }
0x10: {  	s12 =	sadd.s32 $0x2BC00, s12;
	s10 =	sadd.s32 $0x20, s9;
	s11 =	sadd.s32 $0x40, s9  }
.LBB2_7:
0x11: {  	s21 =	sadd.s32 $0x1, s21  }
0x12: {  	p0 =	sne.s32 s21, s13  }
.Ltmp1:
0x13: {  	[bflag:$0x0] =	sbarrier.arrive $0xFFFF;
	(pc) =	sbr.rel @!p0 .LBB2_8-.Ltmp1, $4  }
0x14: {  	[hbm:s12], [sflag:s8] =	dma.local [spmem:s14], $0xC80  }
0x15: {  	_ =	swait.ge [sflag:s15], $0xC80  }
0x16: {  	[sflag:s15] =	ssyncset.done $0x0  }
0x17: {  	[sflag:s15] =	ssyncadd.s32 $0xFFFFF380  }
.LBB2_1:
0x18: {  	[spmem:s14], [sflag:s8] =	dma.local [hbm:s7], $0xC80  }
0x19: {  	_ =	swait.ge [sflag:s15], $0xC80  }
0x1a: {  	[sflag:s15] =	ssyncset.done $0x0  }
0x1b: {  	[sflag:s15] =	ssyncadd.s32 $0xFFFFF380  }
0x1c: {  	[tilespmem:s3], [sflag:$0x1] =	stream.linear.gather [hbm4b:s9+s3], $0x100, $0x38;
	[tilespmem:$0x9000] =	vst v63  }
0x1d: {  	_ = 	snop  }
0x1e: {  	[tilespmem:s16], [sflag:$0x2] =	stream.linear.gather [hbm4b:s10+s3], $0x100, $0x38;
	[tilespmem:$0x9000] =	vst v63  }
0x1f: {  	_ = 	snop  }
0x20: {  	[tilespmem:s17], [sflag:$0x3] =	stream.linear.gather [hbm4b:s11+s3], $0x100, $0x38;
	[tilespmem:$0x9000] =	vst v63  }
.Ltmp2:
0x21: {  	[bflag:$0x0] =	sbarrier.arrive $0xFFFF;
	(pc) =	sbr.rel .LBB2_2-.Ltmp2, $4  }
0x22: {  	_ =	swait.ge [sflag:s18], $0x100  }
0x23: {  	[sflag:s18] =	ssyncset.done $0x0  }
0x24: {  	s22 =	simm.s32 $0x0;
	[sflag:s18] =	ssyncadd.s32 $0xFFFFFF00  }
0x25: {  	[tilespmem:s20], [sflag:$0x5] =	stream.indirect.gather [hbm4b:s4+s19], $0x28, s3, s19, $0xb8;
	[tilespmem:$0x9000] =	vst v63  }
.LBB2_3:
0x26: {  	s24 =	sadd.s32 $0x3, s22  }
0x27: {  	s25 =	sshll.u32 s24, $0x8  }
0x28: {  	s25 =	sadd.s32 s6, s25  }
0x29: {  	s24 =	sand.u32 $0x3, s24;
	s25 =	sshrl.u32 s25, $0x3  }
0x2a: {  	s26 =	sshll.u32 s24, $0x8;
	s24 =	sadd.s32 $0x1, s24;
	s25 =	sadd.s32 s5, s25  }
0x2b: {  	[tilespmem:s26], [sflag:s24] =	stream.linear.gather [hbm4b:s25+s3], $0x100, $0x38;
	[tilespmem:$0x9000] =	vst v63  }
.LBB2_5:
0x2c: {  	s24 =	sadd.s32 $0x1, s22  }
0x2d: {  	s25 =	sand.u32 $0x3, s24;
	s26 =	sand.u32 $0x1, s24  }
0x2e: {  	s28 =	sadd.s32 $0x1, s25;
	s29 =	smul.u32 $0x5000, s26  }
0x2f: {  	_ =	swait.ge [sflag:s28], $0x100  }
0x30: {  	s25 =	sshll.u32 s25, $0x8;
	[sflag:s28] =	ssyncset.done $0x0;
	s31 =	sshrl.u32 s29, $0x2  }
0x31: {  	s26 =	sadd.s32 $0x5, s26;
	[sflag:s28] =	ssyncadd.s32 $0xFFFFFF00;
	s28 =	sadd.s32 $0x400, s31  }
0x32: {  	[tilespmem:s28], [sflag:s26] =	stream.indirect.gather [hbm4b:s4+s19], $0x28, s25, s19, $0xb8;
	[tilespmem:$0x9000] =	vst v63  }
.LBB2_6:
0x33: {  	s23 =	smul.u32 $0x5000, s23  }
0x34: {  	s22 =	sshll.u32 s22, $0x8  }
0x35: {  	p0 =	slt.u32 s24, $0x4F;
	s22 =	sand.u32 $0x300, s22;
	s23 =	sshrl.u32 s23, $0x2  }
.Ltmp3:
0x36: {  	s22 =	sor.u32 $0x80, s22;
	s23 =	sadd.s32 $0x400, s23;
	(pc) =	sbr.rel @!p0 .LBB2_7-.Ltmp3, $4  }
0x37: {  	[spmem:s2] =	stream.indirect.scatter.add.f32 [tilespmem:s23], [sflag:$0x7], $0x28, s22, s19, $0xb8;
	[tilespmem:$0x9000] =	vst v63  }
0x38: {  	_ =	swait.ge [sflag:s15], $0x1400  }
0x39: {  	[sflag:s15] =	ssyncset.done $0x0  }
0x3a: {  	s22 =	smov.u32 s24;
	[sflag:s15] =	ssyncadd.s32 $0xFFFFEC00  }
.LBB2_2:
0x3b: {  	p0 =	sgt.u32 s22, $0x4B  }
.Ltmp4:
0x3c: {  	s23 =	sand.u32 $0x1, s22;
	(pc) =	sbr.rel @!p0 .LBB2_3-.Ltmp4, $4  }
0x3d: {  	s24 =	sadd.s32 $0x5, s23  }
0x3e: {  	_ =	swait.ge [sflag:s24], $0x1400  }
0x3f: {  	[sflag:s24] =	ssyncset.done $0x0  }
0x40: {  	[sflag:s24] =	ssyncadd.s32 $0xFFFFEC00  }
0x41: {  	p0 =	seq.s32 s22, $0x4E  }
.Ltmp5:
0x42: {  	_ = 	snop;
	(pc) =	sbr.rel @p0 .LBB2_6-.Ltmp5, $4  }
.Ltmp6:
0x43: {  	_ = 	snop;
	(pc) =	sbr.rel @!p0 .LBB2_5-.Ltmp6, $4  }
0x44: {  	_ = 	snop  }
0x45: {  	_ = 	snop  }
0x46: {  	s24 =	simm.s32 $0x4F  }
0x47: {  	_ = 	snop  }
.LBB2_8:
0x48: {  	_ =	sfence.sel $0x180000  }
0x49: {  	[bflag:$0x0] =	sbarrier.arrive $0xFFFF  }
0x4a: {  	p0 =	sne.s32 s1, $0x0;
	_ =	strace $0x9000004D  }
0x4b: {  	s0 =	sadd.s32 @!p0 $0x100000, s0;
	[bflag:$0x2] =	sbarrier.arrive $0xFFFF  }
0x4c: {  	[sflag:s0] =	ssyncadd.tile.s32 @!p0 $0x1;
	_ =	shalt  }
.Lfunc_end2:
_tile_overlayer_lowered:
.L_overlay_start_2:
0x4d: {  	(tag) =	ssettag $0x2  }
0x4e: {  	s0 =	rddreg [dreg:$0x0];
	s2 =	stileid.u32  }
0x4f: {  	s1 =	rddreg [dreg:$0x1];
	p0 =	sne.s32 s2, $0x0  }
0x50: {  	s3 =	rddreg [dreg:$0x2];
	[bflag:$0x3] =	sbarrier.arrive $0xFFFF;
	s2 =	simm.s32 @!p0 $0x1C07  }
0x51: {  	[timem:s3], [sflag:s2] =	dma.local @!p0 [hbm:s0], s1  }
0x52: {  	s0 =	simm.s32 @!p0 $0x7  }
0x53: {  	_ =	swait.ge @!p0 [sflag:s0], s1  }
0x54: {  	s1 =	ssub.s32 @!p0 $0x0, s1;
	[sflag:s0] =	ssyncset.done @!p0 $0x0  }
0x55: {  	[sflag:s0] =	ssyncadd.s32 @!p0 s1  }
0x56: {  	[bflag:$0x3] =	sbarrier.arrive $0xFFFF  }
0x57: {  	_ =	shalt  }

// kernel: kernel.8.cloned.1.call-start
scs
__scs_entry_jumppad:
0x0: {  	(pc) =	sbr.rel $0x88, $3  }
0x1: {  	(tag) =	ssettag $0x0;
	lr =	simm.s32 $0x1  }
0x2: {  	[smem:$0x3F9B] =	sst lr;
	_ =	strace $0xD0000000  }
0x3: {  	_ = 	snop  }
0x4: {  	_ = 	snop  }
0x5: {  	_ = 	snop  }
0x6: {  	_ = 	snop  }
0x7: {  	_ = 	snop  }
__scs_overlays_trampoline_lowered:
0x8: {  	[smem:$0x3FAA] =	sst s0  }
0x9: {  	[smem:$0x3FAB] =	sst s1  }
0xa: {  	[smem:$0x3FAC] =	sst s2  }
0xb: {  	[smem:$0x3FAD] =	sst s3  }
0xc: {  	[smem:$0x3FAE] =	sst s4  }
0xd: {  	[smem:$0x3FAF] =	sst s5  }
0xe: {  	[smem:$0x3FB0] =	sst s6  }
0xf: {  	[smem:$0x3FB1] =	sst s7  }
0x10: {  	[smem:$0x3FB2] =	sst s8  }
0x11: {  	[smem:$0x3FB3] =	sst s9;
	s0 =	simm.s32 @!p0 $0x0  }
0x12: {  	s1 =	sld [smem:$0x3F99];
	s0 =	simm.s32 @p0 $0x1  }
0x13: {  	[smem:$0x3FB4] =	sst s0;
	s0 =	simm.s32 @!p1 $0x0  }
0x14: {  	s2 =	sld [smem:$0x3F98];
	s0 =	simm.s32 @p1 $0x1  }
0x15: {  	[smem:$0x3FB5] =	sst s0;
	s0 =	simm.s32 @!p2 $0x0  }
0x16: {  	s3 =	sld [smem:$0x3FDB];
	s0 =	simm.s32 @p2 $0x1  }
0x17: {  	s4 =	simm.s32 $0x1BF5;
	[smem:$0x3FB7] =	sst s0  }
0x18: {  	s0 =	sld [smem:$0x3F9A];
	_ =	swait.ge [sflag:s4], $0x0  }
0x19: {  	s7 =	sld [smem:$0x3F9B]  }
0x1a: {  	s8 =	sadd.s32 $0xFFFFE003, lr  }
0x1b: {  	s9 =	sadd.s32 $0xFFFFFEF7, lr;
	s5 =	simm.s32 $0xFFFFFFFF;
	p2 =	slt.u32 s8, $0xFFFFF086  }
0x1c: {  	p1 =	slt.u32 s9, $0xF7A;
	s5 =	simm.s32 @!p2 $0x0  }
0x1d: {  	s5 =	simm.s32 @p1 $0x1;
	p0 =	seq.s32 s7, s2  }
0x1e: {  	s7 =	smul.u32 @!p0 $0xF7A, s2;
	p2 =	seq.s32 @!p0 s5, $0x0  }
0x1f: {  	s9 =	smul.u32 $0xF7A, s1;
	s8 =	simm.s32 @!p0 $0x1BF5;
	p2 =	por !p2, p0  }
0x20: {  	[sflag:s8] =	ssyncset.s32 @!p0 $0xFFFFF086;
	s6 =	sadd.s32 @!p0 s3, s7;
	s7 =	simm.s32 @!p0 $0x108  }
0x21: {  	s3 =	sadd.s32 s3, s9;
	s6 =	sadd.s32 @!p0 $0x88, s6;
	s7 =	simm.s32 @p2 $0x1082  }
0x22: {  	[simem:s7], [sflag:s8] =	dma.local @!p0 [hbm:s6], $0xF7A  }
0x23: {  	s9 =	sor.u32 $0xD0000000, s2;
	s6 =	simm.s32 $0x108;
	_ =	swait.ge @!p0 [sflag:s8], $0x0  }
0x24: {  	s3 =	sadd.s32 $0x88, s3;
	s6 =	simm.s32 @!p1 $0x1082;
	[sflag:s4] =	ssyncset.s32 $0xFFFFF086  }
0x25: {  	[simem:s6], [sflag:s4] =	dma.local [hbm:s3], $0xF7A  }
0x26: {  	[smem:$0x3F9B] =	sst s1;
	(tag) =	ssettag s2;
	_ =	strace s9  }
0x27: {  	s1 =	sld [smem:$0x3FAB]  }
0x28: {  	s2 =	sld [smem:$0x3FAC]  }
0x29: {  	s4 =	sld [smem:$0x3FAE]  }
0x2a: {  	p0 =	seq.s32 s5, $0x0;
	s5 =	sld [smem:$0x3FAF]  }
0x2b: {  	s6 =	sld [smem:$0x3FB0]  }
0x2c: {  	s7 =	sld [smem:$0x3FB1]  }
0x2d: {  	s3 =	simm.s32 $0x108;
	s8 =	sld [smem:$0x3FB2]  }
0x2e: {  	s3 =	simm.s32 @!p0 $0x1082;
	s9 =	sld [smem:$0x3FB3]  }
0x2f: {  	lr =	sadd.s32 s0, s3;
	s0 =	sld [smem:$0x3FAA]  }
0x30: {  	s3 =	sld [smem:$0x3FAD]  }
0x31: {  	[smem:$0x3FB6] =	sst s10  }
0x32: {  	s10 =	sld [smem:$0x3FB4];
	_ =	sdelay $0x3  }
0x33: {  	p0 =	seq.s32 s10, $0x1;
	s10 =	sld [smem:$0x3FB6];
	_ =	sdelay $0x3  }
0x34: {  	[smem:$0x3FB6] =	sst s10  }
0x35: {  	s10 =	sld [smem:$0x3FB5];
	_ =	sdelay $0x3  }
0x36: {  	p1 =	seq.s32 s10, $0x1;
	s10 =	sld [smem:$0x3FB6];
	_ =	sdelay $0x3  }
0x37: {  	[smem:$0x3FB6] =	sst s10  }
0x38: {  	s10 =	sld [smem:$0x3FB7]  }
0x39: {  	_ = 	snop;
	(pc) =	sbr.ind lr, $3  }
0x3a: {  	_ = 	snop  }
0x3b: {  	_ = 	snop  }
0x3c: {  	p2 =	seq.s32 s10, $0x1;
	s10 =	sld [smem:$0x3FB6]  }
0x3d: {  	_ =	shalt  }
0x3e: {  	_ =	shalt  }
0x3f: {  	_ =	shalt  }
0x40: {  	_ =	shalt  }
0x41: {  	_ =	shalt  }
0x42: {  	_ =	shalt  }
0x43: {  	_ =	shalt  }
0x44: {  	_ =	shalt  }
0x45: {  	_ =	shalt  }
0x46: {  	_ =	shalt  }
0x47: {  	_ =	shalt  }
0x48: {  	_ =	shalt  }
0x49: {  	_ =	shalt  }
0x4a: {  	_ =	shalt  }
0x4b: {  	_ =	shalt  }
0x4c: {  	_ =	shalt  }
0x4d: {  	_ =	shalt  }
0x4e: {  	_ =	shalt  }
0x4f: {  	_ =	shalt  }
0x50: {  	_ =	shalt  }
0x51: {  	_ =	shalt  }
0x52: {  	_ =	shalt  }
0x53: {  	_ =	shalt  }
0x54: {  	_ =	shalt  }
0x55: {  	_ =	shalt  }
0x56: {  	_ =	shalt  }
0x57: {  	_ =	shalt  }
0x58: {  	_ =	shalt  }
0x59: {  	_ =	shalt  }
0x5a: {  	_ =	shalt  }
0x5b: {  	_ =	shalt  }
0x5c: {  	_ =	shalt  }
0x5d: {  	_ =	shalt  }
0x5e: {  	_ =	shalt  }
0x5f: {  	_ =	shalt  }
0x60: {  	_ =	shalt  }
0x61: {  	_ =	shalt  }
0x62: {  	_ =	shalt  }
0x63: {  	_ =	shalt  }
0x64: {  	_ =	shalt  }
0x65: {  	_ =	shalt  }
0x66: {  	_ =	shalt  }
0x67: {  	_ =	shalt  }
0x68: {  	_ =	shalt  }
0x69: {  	_ =	shalt  }
0x6a: {  	_ =	shalt  }
0x6b: {  	_ =	shalt  }
0x6c: {  	_ =	shalt  }
0x6d: {  	_ =	shalt  }
0x6e: {  	_ =	shalt  }
0x6f: {  	_ =	shalt  }
0x70: {  	_ =	shalt  }
0x71: {  	_ =	shalt  }
0x72: {  	_ =	shalt  }
0x73: {  	_ =	shalt  }
0x74: {  	_ =	shalt  }
0x75: {  	_ =	shalt  }
0x76: {  	_ =	shalt  }
0x77: {  	_ =	shalt  }
0x78: {  	_ =	shalt  }
0x79: {  	_ =	shalt  }
0x7a: {  	_ =	shalt  }
0x7b: {  	_ =	shalt  }
0x7c: {  	_ =	shalt  }
0x7d: {  	_ =	shalt  }
0x7e: {  	_ =	shalt  }
0x7f: {  	_ =	shalt  }
0x80: {  	_ =	shalt  }
0x81: {  	_ =	shalt  }
0x82: {  	_ =	shalt  }
0x83: {  	_ =	shalt  }
0x84: {  	_ =	shalt  }
0x85: {  	_ =	shalt  }
0x86: {  	_ =	shalt  }
0x87: {  	_ =	shalt  }
.Lfunc_end0:
.L_simem_size_0:
called_computation_lowered:
.L_overlay_start_0:
0x88: {  	s2 =	sld [smem:$0x3FD9]  }
0x89: {  	s3 =	sld [smem:$0x3FFE];
	_ =	sdelay $0x1  }
0x8a: {  	s1 =	srdreg.scid  }
0x8b: {  	s0 =	sand.u32 $0x1, s1  }
0x8c: {  	s17 =	sshll.u32 s0, $0xA;
	s2 =	sadd.s32 s3, s2  }
0x8d: {  	s2 =	sadd.s32 s2, s17  }
0x8e: {  	[smem:$0x3FC2] =	sst s2  }
0x8f: {  	_ = 	snop  }
0x90: {  	s2 =	sld [smem:$0x3FD0];
	(tm) =	ssettm $0x1  }
0x91: {  	s18 =	sld [smem:$0x3FFB];
	_ =	sdelay $0x3  }
0x92: {  	_ =	strace s18  }
0x93: {  	s3 =	sld [smem:$0x3FFC];
	_ =	sdelay $0x3  }
0x94: {  	_ =	strace s3  }
0x95: {  	s3 =	sld [smem:$0x3FFD];
	_ =	sdelay $0x3  }
0x96: {  	_ =	strace s3  }
0x97: {  	_ =	strace $0x8FFFFFFF  }
0x98: {  	s19 =	sld [smem:$0x3FDB];
	_ =	sdelay $0x1  }
0x99: {  	s4 =	simm.s32 $_scs_section_size  }
0x9a: {  	s5 =	simm.s32 $_size__tile_overlayer_lowered;
	s6 =	simm.s32 $_tile_overlayer_lowered  }
0x9b: {  	s22 =	simm.s32 $0x1BFF;
	s21 =	sshll.u32 s6, $0x1;
	s3 =	sadd.s32 s4, s19  }
0x9c: {  	s7 =	simm.s32 $0x0;
	s20 =	sshll.u32 s5, $0x1;
	s5 =	sadd.s32 s21, s3  }
0x9d: {  	[timem:s7], [sflag:s22] =	dma.local [hbm:s5], s20  }
0x9e: {  	_ =	swait.ge [sflag:s22], s20  }
0x9f: {  	s4 =	ssub.s32 $0x0, s20;
	[sflag:s22] =	ssyncset.done $0x0  }
0xa0: {  	[sflag:s22] =	ssyncadd.s32 s4;
	_ =	sdelay $0x1  }
0xa1: {  	s23 =	simm.s32 $0x1B8B  }
0xa2: {  	_ =	swait.ge [sflag:s23], $0x1  }
0xa3: {  	[sflag:s23] =	ssyncset.done $0x0  }
0xa4: {  	s25 =	simm.s32 $0x1B8E;
	s24 =	sld [smem:$0x3FFE];
	[sflag:s23] =	ssyncadd.s32 $0xFFFFFFFF  }
0xa5: {  	s26 =	simm.s32 $execute0_lowered;
	[smem:$0x3FD2] =	sst s25  }
0xa6: {  	s5 =	sshll.u32 s26, $0x1;
	_ =	strace $0x80000046;
	[dreg:$0x1] =	wrdreg $0xFFFFFFFF  }
0xa7: {  	s28 =	simm.s32 $_size_execute0_lowered;
	s3 =	sadd.s32 s3, s5;
	[dreg:$0x0] =	wrdreg $0x0  }
0xa8: {  	s5 =	sshll.u32 s28, $0x1;
	[dreg:$0x2] =	wrdreg s3  }
0xa9: {  	[dreg:$0x3] =	wrdreg s5  }
0xaa: {  	[dreg:$0x4] =	wrdreg $0xC0  }
0xab: {  	_ =	task [dreg:s7], $0x5FFFF  }
0xac: {  	[dreg:$0x1] =	wrdreg $0xFFFFFFFF  }
0xad: {  	[dreg:$0x0] =	wrdreg $0x60  }
0xae: {  	[dreg:$0x2] =	wrdreg s24  }
0xaf: {  	[dreg:$0x3] =	wrdreg s2  }
0xb0: {  	[dreg:$0x4] =	wrdreg $0x9  }
0xb1: {  	_ =	task.clear_ibuf [dreg:s7], $0x5FFFF;
	_ =	strace $0x90000046  }
0xb2: {  	s29 =	simm.s32 $0x9;
	_ =	strace $0x80000048  }
0xb3: {  	_ =	swait.ge [sflag:s29], $0x1  }
0xb4: {  	[sflag:s29] =	ssyncadd.s32 $0xFFFFFFFF  }
0xb5: {  	_ =	strace $0x90000048  }
0xb6: {  	_ =	sfence  }
0xb7: {  	s30 =	sld [smem:$0x0];
	_ =	sdelay $0x2  }
0xb8: {  	s31 =	sshll.u32 s1, $0xD;
	s1 =	sshrl.u32 s1, $0x2  }
0xb9: {  	s3 =	sand.u32 $0x4000, s31;
	s1 =	sadd.s32 s1, s30  }
0xba: {  	s0 =	sor.u32 s3, s0;
	s1 =	sshll.u32 s1, $0x11  }
0xbb: {  	s0 =	sor.u32 s1, s0  }
0xbc: {  	s0 =	sadd.s32 $0x8F2B, s0  }
0xbd: {  	[sflag:s0] =	ssyncadd.remote.s32 $0x1  }
0xbe: {  	_ =	sfence.sel $0xFFFF  }
0xbf: {  	[dreg:$0x0] =	wrdreg $0xFFFFFFFF;
	(pc) =	sbr.abs _section_cstart, $3  }
0xc0: {  	[dreg:$0x1] =	wrdreg $0xFFFFFFFF  }
0xc1: {  	_ =	task.clear_ibuf [dreg:s7], $0x2FFFF;
	_ =	strace $0x9FFFFFFF  }
0xc2: {  	(tm) =	ssettm $0x7FFFFFFF  }
0xc3: {  	_ =	shalt  }
tec
execute0_lowered:
.L_overlay_start_1:
0x0: {  	(tag) =	ssettag $0x1  }
0x1: {  	s0 =	srdreg.scid  }
0x2: {  	s3 =	rddreg [dreg:$0x0];
	s4 =	sand.u32 $0x1, s0  }
0x3: {  	s5 =	rddreg [dreg:$0x1];
	s1 =	stileid.u32;
	s2 =	sshll.u32 s4, $0x4  }
0x4: {  	s0 =	rddreg [dreg:$0x2];
	s6 =	sor.u32 s1, s2  }
0x5: {  	s4 =	ssub.s32 $0x2, s4;
	s2 =	simm.s32 $0x0;
	s7 =	smul.u32 $0x4F0, s6  }
0x6: {  	s8 =	sshrl.u32 s4, $0x1;
	[smem:$0x7FF] =	sst s2;
	s6 =	smul.u32 $0x500, s6  }
0x7: {  	s31 =	ssub.s32 s4, s8;
	s8 =	simm.s32 $0x0;
	_ =	strace $0x80000047  }
0x8: {  	s3 =	sadd.s32 s7, s3;
	s4 =	sadd.s32 s5, s6;
	s5 =	smax.u32 s31, $0x1  }
0x9: {  	v0 =	vimm.f32 $0.0e+00;
	v1 =	vimm.f32 $1.000000000e+00;
	s6 =	simm.s32 $0x1;
	s7 =	simm.s32 $0x2780;
	s3 =	sadd.s32 $0x1A00, s3  }
.LBB2_1:
0xa: {  	[tilespmem:s2], [sflag:$0x1] =	stream.linear.gather [hbm4b:s3+s2], $0x2780, $0x38;
	[tilespmem:$0x4F80] =	vst v63  }
0xb: {  	_ =	swait.ge [sflag:s6], $0x2780  }
0xc: {  	[sflag:s6] =	ssyncset.done $0x0  }
0xd: {  	s9 =	simm.s32 $0x0;
	[sflag:s6] =	ssyncadd.s32 $0xFFFFD880  }
.LBB2_2:
0xe: {  	p0 =	sne.s32 s9, $0x9FC0  }
.Ltmp0:
0xf: {  	_ = 	snop;
	(pc) =	sbr.rel @p0 .LBB2_2-.Ltmp0, $3  }
0x10: {  	_ =	sdelay $0x1  }
0x11: {  	s10 =	sshra.s32 s9, $0x2  }
0x12: {  	s9 =	sadd.s32 $0x40, s9;
	[tilespmem:s10+$0x2780] =	vst v0  }
0x13: {  	s10 =	simm.s32 $0x0;
	s9 =	simm.s32 $0x40  }
.LBB2_4:
0x14: {  	p0 =	sne.s32 s9, $0x9DC0;
	v2 =	vld [tilespmem:s10+$0x0];
	_ =	sdelay $0x3  }
.Ltmp1:
0x15: {  	(pc) =	sbr.rel @p0 .LBB2_4-.Ltmp1, $2  }
0x16: {  	_ =	sdelay $0x2  }
0x17: {  	s10 =	sshra.s32 s9, $0x2;
	s9 =	sadd.s32 $0x40, s9;
	[tilespmem:v2+s7+$0x0] =	vst.idx.add.f32.msk $0xffff, v1  }
0x18: {  	v2 =	vld [tilespmem:s10+$0x0];
	_ =	sdelay $0x5  }
0x19: {  	s8 =	sadd.s32 $0x1, s8  }
0x1a: {  	p0 =	sne.s32 s8, s5  }
.Ltmp2:
0x1b: {  	[tilespmem:v2+s7+$0x0] =	vst.idx.add.f32.msk $0xffff, v1;
	(pc) =	sbr.rel @p0 .LBB2_1-.Ltmp2, $4  }
0x1c: {  	[hbm4b:s4+s2] =	stream.linear.scatter [tilespmem:s7], [sflag:$0x1], $0x2800, $0x38;
	[tilespmem:$0x4F80] =	vst v63  }
0x1d: {  	_ =	swait.ge [sflag:s6], $0x2800  }
0x1e: {  	[sflag:s6] =	ssyncset.done $0x0  }
0x1f: {  	[sflag:s6] =	ssyncadd.s32 $0xFFFFD800  }
0x20: {  	_ =	sfence.sel $0x180000  }
0x21: {  	[bflag:$0x0] =	sbarrier.arrive $0xFFFF  }
0x22: {  	p0 =	sne.s32 s1, $0x0;
	_ =	strace $0x90000047  }
0x23: {  	s0 =	sadd.s32 @!p0 $0x100000, s0;
	[bflag:$0x2] =	sbarrier.arrive $0xFFFF  }
0x24: {  	[sflag:s0] =	ssyncadd.tile.s32 @!p0 $0x1;
	_ =	shalt  }
.Lfunc_end2:
_tile_overlayer_lowered:
.L_overlay_start_2:
0x25: {  	(tag) =	ssettag $0x2  }
0x26: {  	s0 =	rddreg [dreg:$0x0];
	s2 =	stileid.u32  }
0x27: {  	s1 =	rddreg [dreg:$0x1];
	p0 =	sne.s32 s2, $0x0  }
0x28: {  	s3 =	rddreg [dreg:$0x2];
	[bflag:$0x3] =	sbarrier.arrive $0xFFFF;
	s2 =	simm.s32 @!p0 $0x1C01  }
0x29: {  	[timem:s3], [sflag:s2] =	dma.local @!p0 [hbm:s0], s1  }
0x2a: {  	s0 =	simm.s32 @!p0 $0x1  }
0x2b: {  	_ =	swait.ge @!p0 [sflag:s0], s1  }
0x2c: {  	s1 =	ssub.s32 @!p0 $0x0, s1;
	[sflag:s0] =	ssyncset.done @!p0 $0x0  }
0x2d: {  	[sflag:s0] =	ssyncadd.s32 @!p0 s1  }
0x2e: {  	[bflag:$0x3] =	sbarrier.arrive $0xFFFF  }
0x2f: {  	_ =	shalt  }

</sc_bundles>
